<compile_context>
chip_gen: v7x
topology: tpu7x:2x2x1
jax: 0.10.2.dev20260603
libtpu: 0.0.44.dev20260713+nightly
codegen_flags: <defaults>
</compile_context>

<pallas_src>
import functools

import jax
import jax.numpy as jnp
from jax import lax
from jax.experimental import pallas as pl
from jax.experimental.pallas import tpu as pltpu
from jax.experimental.pallas import tpu_sc as plsc

L, B, E, H, F, NE = 2048, 1, 768, 12, 1024, 8
DH = E // H
T = L * B
NPAIR = 2 * T

BLK = 256
NPAD = NPAIR + NE * BLK
NB = NPAD // BLK
QBLK = 256


LOG2E = 1.4426950408889634


def _qkv_body(x_ref, w_ref, b_ref, o_ref):
    w = w_ref[...].astype(jnp.bfloat16)
    r = lax.dot_general(w, x_ref[...], (((1,), (1,)), ((), ())),
                        preferred_element_type=jnp.float32) + b_ref[...]
    o_ref[...] = r.reshape(4, DH, T).astype(jnp.bfloat16)


def _qkv(x2d, in_proj_w, in_proj_b):
    return pl.pallas_call(
        _qkv_body,
        grid=(9,),
        in_specs=[
            pl.BlockSpec((T, E), lambda i: (0, 0)),
            pl.BlockSpec((4 * DH, E), lambda i: (i, 0)),
            pl.BlockSpec((4 * DH, 1), lambda i: (i, 0)),
        ],
        out_specs=pl.BlockSpec((4, DH, T), lambda i: (i, 0, 0)),
        out_shape=jax.ShapeDtypeStruct((3 * H, DH, T), jnp.bfloat16),
    )(x2d, in_proj_w, in_proj_b.reshape(3 * H * DH, 1))


def _attn_body(q_ref, k_ref, v_ref, o_ref):
    q = q_ref[0]
    k = k_ref[0]
    v = v_ref[0]
    s = lax.dot_general(q, k, (((0,), (0,)), ((), ())),
                        preferred_element_type=jnp.float32)
    s = s * (1.0 / (DH ** 0.5))
    m = jnp.max(s, axis=1, keepdims=True)
    e = jnp.exp((s - m))
    p = (e / jnp.sum(e, axis=1, keepdims=True)).astype(jnp.bfloat16)
    o = lax.dot_general(v, p, (((1,), (1,)), ((), ())),
                        preferred_element_type=jnp.float32)
    o_ref[0] = o.astype(jnp.bfloat16)


def _attention(qkv):
    nq = T // QBLK
    return pl.pallas_call(
        _attn_body,
        grid=(H, nq),
        in_specs=[
            pl.BlockSpec((1, DH, QBLK), lambda h, i: (h, 0, i)),
            pl.BlockSpec((1, DH, T), lambda h, i: (H + h, 0, 0)),
            pl.BlockSpec((1, DH, T), lambda h, i: (2 * H + h, 0, 0)),
        ],
        out_specs=pl.BlockSpec((1, DH, QBLK), lambda h, i: (h, 0, i)),
        out_shape=jax.ShapeDtypeStruct((H, DH, T), jnp.bfloat16),
    )(qkv, qkv, qkv)


def _layer_norm_in(v, g, b):
    m = jnp.mean(v, axis=-1, keepdims=True)
    var = jnp.mean((v - m) ** 2, axis=-1, keepdims=True)
    return (v - m) * lax.rsqrt(var + 1e-5) * g + b


def _cumsum0(a):
    n = a.shape[0]
    sh = 1
    while sh < n:
        z = jnp.zeros((sh, a.shape[1]), a.dtype)
        a = a + jnp.concatenate([z, a[:-sh]], axis=0)
        sh *= 2
    return a


def _prefix_lanes(a):
    n = a.shape[1]
    sh = 1
    while sh < n:
        z = jnp.zeros((a.shape[0], sh), a.dtype)
        a = a + jnp.concatenate([z, a[:, :-sh]], axis=1)
        sh *= 2
    return a


def _router_body(o_ref, w_ref, b_ref, x_ref, g_ref, be_ref, gw_ref,
                 x1_ref, x1b_ref, pos1_ref, pos2_ref, g1_ref, g2_ref,
                 bexp_ref):
    o2d = o_ref[...].reshape(E, T)
    proj = b_ref[...] + lax.dot_general(
        o2d, w_ref[...].astype(jnp.bfloat16), (((0,), (1,)), ((), ())),
        preferred_element_type=jnp.float32)
    x1 = _layer_norm_in(x_ref[...] + proj, g_ref[...], be_ref[...])
    x1_ref[...] = x1
    x1b_ref[...] = x1.astype(jnp.bfloat16)

    logits = jnp.dot(x1.astype(jnp.bfloat16),
                     gw_ref[...].astype(jnp.bfloat16),
                     preferred_element_type=jnp.float32)
    lm = jnp.max(logits, axis=1, keepdims=True)
    el = jnp.exp(logits - lm)
    gates = el / jnp.sum(el, axis=1, keepdims=True)

    iota8 = lax.broadcasted_iota(jnp.int32, (T, NE), 1)
    g1v = jnp.max(gates, axis=1, keepdims=True)
    i1 = jnp.min(jnp.where(gates == g1v, iota8, NE), axis=1, keepdims=True)
    m1 = iota8 == i1
    gm = jnp.where(m1, -jnp.inf, gates)
    g2v = jnp.max(gm, axis=1, keepdims=True)
    i2 = jnp.min(jnp.where(gm == g2v, iota8, NE), axis=1, keepdims=True)
    m2 = iota8 == i2
    denom = g1v + g2v + 1e-9
    g1_ref[...] = g1v / denom
    g2_ref[...] = g2v / denom

    c1 = _cumsum0(m1.astype(jnp.int32))
    c2 = _cumsum0(m2.astype(jnp.int32))
    tot1 = c1[T - 1:T, :]
    total = tot1 + c2[T - 1:T, :]
    padded = ((total + (BLK - 1)) // BLK) * BLK
    poff = _prefix_lanes(padded) - padded

    m1i = m1.astype(jnp.int32)
    m2i = m2.astype(jnp.int32)
    pos1_ref[...] = jnp.sum(m1i * (poff + c1 - 1), axis=1, keepdims=True)
    pos2_ref[...] = jnp.sum(m2i * (poff + tot1 + c2 - 1), axis=1, keepdims=True)

    pboff = poff // BLK
    jiota = lax.broadcasted_iota(jnp.int32, (NB, NE), 0)
    bexp = jnp.sum((jiota >= pboff).astype(jnp.int32), axis=1, keepdims=True) - 1
    bexp_ref[...] = jnp.minimum(bexp, NE - 1)


def _router(o, out_proj_w, out_proj_b, x2d, ln1_g, ln1_b, gate_w):
    full = lambda r, c: pl.BlockSpec((r, c), lambda: (0, 0))
    return pl.pallas_call(
        _router_body,
        in_specs=[
            pl.BlockSpec((H, DH, T), lambda: (0, 0, 0)),
            full(E, E), full(1, E), full(T, E),
            full(1, E), full(1, E), full(E, NE),
        ],
        out_specs=[
            full(T, E), full(T, E), full(T, 1), full(T, 1), full(T, 1),
            full(T, 1), full(NB, 1),
        ],
        out_shape=[
            jax.ShapeDtypeStruct((T, E), jnp.float32),
            jax.ShapeDtypeStruct((T, E), jnp.bfloat16),
            jax.ShapeDtypeStruct((T, 1), jnp.int32),
            jax.ShapeDtypeStruct((T, 1), jnp.int32),
            jax.ShapeDtypeStruct((T, 1), jnp.float32),
            jax.ShapeDtypeStruct((T, 1), jnp.float32),
            jax.ShapeDtypeStruct((NB, 1), jnp.int32),
        ],
    )(o, out_proj_w, out_proj_b.reshape(1, E), x2d,
      ln1_g.reshape(1, E), ln1_b.reshape(1, E), gate_w)


def _ffn_body(bexp_ref, xs_ref, w1_ref, w2_ref, o_ref):
    del bexp_ref
    h = jnp.dot(xs_ref[...], w1_ref[0].astype(jnp.bfloat16),
                preferred_element_type=jnp.float32)
    h = jax.nn.gelu(h)
    o = jnp.dot(h.astype(jnp.bfloat16), w2_ref[0].astype(jnp.bfloat16),
                preferred_element_type=jnp.float32)
    o_ref[...] = o.astype(jnp.bfloat16)


def _ffn(xs, w1, w2, bexp):
    grid_spec = pltpu.PrefetchScalarGridSpec(
        num_scalar_prefetch=1,
        grid=(NB,),
        in_specs=[
            pl.BlockSpec((BLK, E), lambda j, be: (j, 0)),
            pl.BlockSpec((1, E, F), lambda j, be: (be[j], 0, 0)),
            pl.BlockSpec((1, F, E), lambda j, be: (be[j], 0, 0)),
        ],
        out_specs=pl.BlockSpec((BLK, E), lambda j, be: (j, 0)),
    )
    return pl.pallas_call(
        _ffn_body,
        grid_spec=grid_spec,
        out_shape=jax.ShapeDtypeStruct((NPAD, E), jnp.bfloat16),
    )(bexp, xs, w1, w2)


_SC_MESH = dict(core_axis_name="c", subcore_axis_name="s")
NWORK = 32
GCH = 64


def _sc_wid():
    return lax.axis_index("s") * 2 + lax.axis_index("c")


def _sc_scatter(pos1, pos2, g1, g2):

    @functools.partial(
        pl.kernel,
        mesh=plsc.VectorSubcoreMesh(**_SC_MESH),
        compiler_params=pltpu.CompilerParams(needs_layout_passes=False),
        out_type=[
            jax.ShapeDtypeStruct((NPAD,), jnp.int32),
            jax.ShapeDtypeStruct((NPAD,), jnp.float32),
        ],
        scratch_types=[
            pltpu.VMEM((NPAD,), jnp.int32),
            pltpu.VMEM((NPAD,), jnp.float32),
            pltpu.VMEM((T,), jnp.int32),
            pltpu.VMEM((T,), jnp.int32),
            pltpu.VMEM((T,), jnp.float32),
            pltpu.VMEM((T,), jnp.float32),
        ],
    )
    def k(p1_hbm, p2_hbm, g1_hbm, g2_hbm, stid_hbm, sg_hbm,
          stid_v, sg_v, p1_v, p2_v, g1_v, g2_v):
        wid = _sc_wid()

        @pl.when(wid == 0)
        def _():
            pltpu.sync_copy(p1_hbm, p1_v)
            pltpu.sync_copy(p2_hbm, p2_v)
            pltpu.sync_copy(g1_hbm, g1_v)
            pltpu.sync_copy(g2_hbm, g2_v)
            zi = jnp.zeros((16,), jnp.int32)
            zf = jnp.zeros((16,), jnp.float32)

            def zbody(i, c):
                stid_v[pl.ds(i * 16, 16)] = zi
                sg_v[pl.ds(i * 16, 16)] = zf
                return c

            lax.fori_loop(0, NPAD // 16, zbody, 0)
            lane = lax.iota(jnp.int32, 16)

            def sbody(i, c):
                tid = lane + i * 16
                i1 = p1_v[pl.ds(i * 16, 16)]
                plsc.store_scatter(stid_v, [i1], tid)
                plsc.store_scatter(sg_v, [i1], g1_v[pl.ds(i * 16, 16)])
                i2 = p2_v[pl.ds(i * 16, 16)]
                plsc.store_scatter(stid_v, [i2], tid)
                plsc.store_scatter(sg_v, [i2], g2_v[pl.ds(i * 16, 16)])
                return c

            lax.fori_loop(0, T // 16, sbody, 0)
            pltpu.sync_copy(stid_v, stid_hbm)
            pltpu.sync_copy(sg_v, sg_hbm)

    return k(pos1, pos2, g1, g2)


def _sc_gather_rows(src, idx):
    M = idx.shape[0]
    n_ch = M // (NWORK * GCH)

    @functools.partial(
        pl.kernel,
        mesh=plsc.VectorSubcoreMesh(**_SC_MESH),
        out_type=jax.ShapeDtypeStruct((M, src.shape[1]), src.dtype),
        scratch_types=[
            pltpu.VMEM((n_ch * GCH,), jnp.int32),
            pltpu.VMEM((GCH, src.shape[1]), src.dtype),
            pltpu.VMEM((GCH, src.shape[1]), src.dtype),
            pltpu.SemaphoreType.DMA,
            pltpu.SemaphoreType.DMA,
            pltpu.SemaphoreType.DMA,
            pltpu.SemaphoreType.DMA,
        ],
    )
    def k(src_hbm, idx_hbm, out_hbm, idx_v, bufa_v, bufb_v,
          sga, sgb, soa, sob):
        base = _sc_wid() * (n_ch * GCH)
        pltpu.sync_copy(idx_hbm.at[pl.ds(base, n_ch * GCH)], idx_v)
        bufs = (bufa_v, bufb_v)
        gsems = (sga, sgb)
        osems = (soa, sob)
        gathers = [None] * n_ch
        outs = [None] * n_ch
        for c in range(n_ch):
            b = c % 2
            if c >= 2:
                outs[c - 2].wait()
            gathers[c] = pltpu.async_copy(
                src_hbm.at[idx_v.at[pl.ds(c * GCH, GCH)]], bufs[b], gsems[b])
            if c >= 1:
                gathers[c - 1].wait()
                outs[c - 1] = pltpu.async_copy(
                    bufs[1 - b], out_hbm.at[pl.ds(base + (c - 1) * GCH, GCH)],
                    osems[1 - b])
        gathers[n_ch - 1].wait()
        outs[n_ch - 1] = pltpu.async_copy(
            bufs[(n_ch - 1) % 2],
            out_hbm.at[pl.ds(base + (n_ch - 1) * GCH, GCH)],
            osems[(n_ch - 1) % 2])
        for c in range(max(0, n_ch - 2), n_ch):
            outs[c].wait()

    return k(src, idx)


def _sc_gather2_rows(src, idx1, idx2):
    M = idx1.shape[0]
    n_ch = M // (NWORK * GCH)
    D = src.shape[1]

    @functools.partial(
        pl.kernel,
        mesh=plsc.VectorSubcoreMesh(**_SC_MESH),
        out_type=[
            jax.ShapeDtypeStruct((M, D), src.dtype),
            jax.ShapeDtypeStruct((M, D), src.dtype),
        ],
        scratch_types=[
            pltpu.VMEM((GCH,), jnp.int32),
            pltpu.VMEM((GCH,), jnp.int32),
            pltpu.VMEM((GCH, D), src.dtype),
            pltpu.VMEM((GCH, D), src.dtype),
            pltpu.SemaphoreType.DMA,
            pltpu.SemaphoreType.DMA,
            pltpu.SemaphoreType.DMA,
            pltpu.SemaphoreType.DMA,
        ],
    )
    def k(src_hbm, i1_hbm, i2_hbm, oa_hbm, ob_hbm,
          i1_v, i2_v, ra_v, rb_v, sema, semb, soa, sob):
        assert n_ch == 1
        base = _sc_wid() * GCH
        pltpu.sync_copy(i1_hbm.at[pl.ds(base, GCH)], i1_v)
        pltpu.sync_copy(i2_hbm.at[pl.ds(base, GCH)], i2_v)
        cpa = pltpu.async_copy(src_hbm.at[i1_v], ra_v, sema)
        cpb = pltpu.async_copy(src_hbm.at[i2_v], rb_v, semb)
        cpa.wait()
        oa = pltpu.async_copy(ra_v, oa_hbm.at[pl.ds(base, GCH)], soa)
        cpb.wait()
        ob = pltpu.async_copy(rb_v, ob_hbm.at[pl.ds(base, GCH)], sob)
        oa.wait()
        ob.wait()

    return k(src, idx1, idx2)


def _ln2_body(x1_ref, ya_ref, yb_ref, g1_ref, g2_ref, g_ref, b_ref, o_ref):
    f32 = jnp.float32
    bf = jnp.bfloat16
    ga = g1_ref[...].astype(bf).astype(f32)
    gb = g2_ref[...].astype(bf).astype(f32)
    y = (ya_ref[...].astype(bf).astype(f32) * ga
         + yb_ref[...].astype(bf).astype(f32) * gb)
    v = x1_ref[...] + y
    o_ref[...] = _layer_norm_in(v, g_ref[...], b_ref[...])


def _ln2(x1, ya, yb, g1, g2, ln2_g, ln2_b):
    full = lambda r, c: pl.BlockSpec((r, c), lambda: (0, 0))
    return pl.pallas_call(
        _ln2_body,
        in_specs=[full(T, E), full(T, E), full(T, E), full(T, 1), full(T, 1),
                  full(1, E), full(1, E)],
        out_specs=full(T, E),
        out_shape=jax.ShapeDtypeStruct((T, E), jnp.float32),
    )(x1, ya, yb, g1, g2, ln2_g.reshape(1, E), ln2_b.reshape(1, E))


@jax.jit
def kernel(x, time, in_proj_w, in_proj_b, out_proj_w, out_proj_b,
           ln1_g, ln1_b, ln2_g, ln2_b, gate_w, w1, w2):
    del time
    x2d = x.reshape(T, E)

    qkv = _qkv(x2d.astype(jnp.bfloat16), in_proj_w, in_proj_b)
    o = _attention(qkv)
    x1, x1b, pos1, pos2, g1, g2, bexp = _router(
        o, out_proj_w, out_proj_b, x2d, ln1_g, ln1_b, gate_w)

    p1 = pos1.reshape(T)
    p2 = pos2.reshape(T)
    sorted_tid, sorted_g = _sc_scatter(p1, p2, g1.reshape(T), g2.reshape(T))
    xp = lax.bitcast_convert_type(x1b.reshape(T, E // 2, 2), jnp.int32)
    xs_p = _sc_gather_rows(xp, sorted_tid)
    xs = lax.bitcast_convert_type(xs_p, jnp.bfloat16).reshape(NPAD, E)

    out_rows = _ffn(xs, w1, w2, bexp[:, 0])

    op = lax.bitcast_convert_type(out_rows.reshape(NPAD, E // 2, 2), jnp.int32)
    ya_p, yb_p = _sc_gather2_rows(op, p1, p2)
    ya = lax.bitcast_convert_type(ya_p, jnp.bfloat16).reshape(T, E)
    yb = lax.bitcast_convert_type(yb_p, jnp.bfloat16).reshape(T, E)
    x2 = _ln2(x1, ya, yb, g1, g2, ln2_g, ln2_b)
    return x2.reshape(L, B, E)

# --- scband reference (transcript-rebuilt; emitter-appended) ---
"""Pipeline reference for scband-attention-layer-3985729650926 (READ-ONLY COPY).

The authoritative reference and input builder live on the scoring server;
editing this copy changes nothing except your own understanding.
"""

import jax, jax.numpy as jnp
import numpy as np

L, B, E, H, F, NE = 2048, 1, 768, 12, 1024, 8


def _layer_norm(v, g, b):
    m = jnp.mean(v, axis=-1, keepdims=True)
    var = jnp.var(v, axis=-1, keepdims=True)
    return (v - m) / jnp.sqrt(var + 1e-5) * g + b


def setup_inputs(seed: int = 0) -> dict:
    key = jax.random.key(seed)
    ks = jax.random.split(key, 8)
    s = 1.0 / np.sqrt(E)
    return {
        "x": jax.random.normal(ks[0], (L, B, E), dtype=jnp.float32),
        "time": jax.random.normal(ks[1], (L, B), dtype=jnp.float32),
        "in_proj_w": jax.random.normal(ks[2], (3 * E, E), dtype=jnp.float32) * s,
        "in_proj_b": jnp.zeros((3 * E,), dtype=jnp.float32),
        "out_proj_w": jax.random.normal(ks[3], (E, E), dtype=jnp.float32) * s,
        "out_proj_b": jnp.zeros((E,), dtype=jnp.float32),
        "ln1_g": jnp.ones((E,), jnp.float32),
        "ln1_b": jnp.zeros((E,), jnp.float32),
        "ln2_g": jnp.ones((E,), jnp.float32),
        "ln2_b": jnp.zeros((E,), jnp.float32),
        "gate_w": jax.random.normal(ks[4], (E, NE), jnp.float32) * s,
        "w1": jax.random.normal(ks[5], (NE, E, F), jnp.float32) * s,
        "w2": jax.random.normal(ks[6], (NE, F, E), jnp.float32) * (1.0 / np.sqrt(F)),
    }


def reference(x, time, in_proj_w, in_proj_b, out_proj_w, out_proj_b, ln1_g, ln1_b, ln2_g, ln2_b, gate_w, w1, w2):
    # use_time_seq=False -> standard nn.MultiheadAttention; `time` is accepted but unused.
    del time
    dh = E // H
    # ---- multi-head self attention (eval mode, dropout off) ----
    qkv = x.reshape(L * B, E) @ in_proj_w.T + in_proj_b
    q, k, v = jnp.split(qkv, 3, axis=-1)

    def to_heads(t):
        return t.reshape(L, B, H, dh).transpose(1, 2, 0, 3)  # (B, H, L, dh)

    q, k, v = to_heads(q), to_heads(k), to_heads(v)
    scores = (q @ k.transpose(0, 1, 3, 2)) / np.sqrt(dh)
    attn = jax.nn.softmax(scores, axis=-1)
    o = (attn @ v).transpose(2, 0, 1, 3).reshape(L, B, E)
    o = o.reshape(L * B, E) @ out_proj_w.T + out_proj_b
    x = _layer_norm(x + o.reshape(L, B, E), ln1_g, ln1_b)
    # ---- MoE feed-forward with top-2 gating (normalized top-2 combine) ----
    tok = x.reshape(L * B, E)
    gates = jax.nn.softmax(tok @ gate_w, axis=-1)
    vals, idx = jax.lax.top_k(gates, 2)
    denom = vals[:, 0] + vals[:, 1] + 1e-9
    g1 = vals[:, 0] / denom
    g2 = vals[:, 1] / denom
    T = L * B
    combine = jnp.zeros((T, NE), jnp.float32)
    combine = combine.at[jnp.arange(T), idx[:, 0]].set(g1)
    combine = combine.at[jnp.arange(T), idx[:, 1]].set(g2)
    h = jax.nn.gelu(jnp.einsum('td,edf->tef', tok, w1))
    eo = jnp.einsum('tef,efd->ted', h, w2)
    y = jnp.einsum('ted,te->td', eo, combine)
    x = _layer_norm(x + y.reshape(L, B, E), ln2_g, ln2_b)
    return x

if __name__ == "__main__":
    import jax
    _d = setup_inputs()
    print(jax.jit(kernel)(*tuple(_d.values())))

</pallas_src>

<mosaic_0001>
#map = affine_map<(d0, d1) -> (0, 0)>
#map1 = affine_map<(d0, d1) -> (0)>
module attributes {stable_mosaic.version = 14 : i64} {
  func.func @k(%arg0: i32, %arg1: i32, %arg2: memref<6144x384xi32, #tpu.memory_space<hbm>>, %arg3: memref<2048xi32, #tpu.memory_space<hbm>>, %arg4: memref<2048xi32, #tpu.memory_space<hbm>>, %arg5: memref<2048x384xi32, #tpu.memory_space<hbm>>, %arg6: memref<2048x384xi32, #tpu.memory_space<hbm>>, %arg7: memref<64xi32, #tpu.memory_space<vmem>>, %arg8: memref<64xi32, #tpu.memory_space<vmem>>, %arg9: memref<64x384xi32, #tpu.memory_space<vmem>>, %arg10: memref<64x384xi32, #tpu.memory_space<vmem>>, %arg11: memref<!tpu.dma_semaphore, #tpu.memory_space<semaphore_mem>>, %arg12: memref<!tpu.dma_semaphore, #tpu.memory_space<semaphore_mem>>, %arg13: memref<!tpu.dma_semaphore, #tpu.memory_space<semaphore_mem>>, %arg14: memref<!tpu.dma_semaphore, #tpu.memory_space<semaphore_mem>>) attributes {dimension_semantics = [#tpu.dimension_semantics<core_parallel>, #tpu.dimension_semantics<subcore_parallel>], iteration_bounds = array<i64: 2, 16>, scalar_prefetch = 0 : i64, scratch_operands = 8 : i64, tpu.core_type = #tpu.core_type<sc_vector_subcore>, window_params = [{transform_indices = #map}, {transform_indices = #map1}, {transform_indices = #map1}, {transform_indices = #map}, {transform_indices = #map}]} {
    %mul3A = arith.constant 2 : i32
    %mul3A_0 = arith.muli %arg1, %mul3A : i32
    %add3A = arith.addi %mul3A_0, %arg0 : i32
    %mul3A_1 = arith.constant 64 : i32
    %mul3A_2 = arith.muli %add3A, %mul3A_1 : i32
    "tpu.region"() ({
      %run_scoped3A = tpu.sem_alloc : memref<!tpu.dma_semaphore, #tpu.memory_space<semaphore_mem>>
      %dma_start3A_29 = tpu.memref_slice %arg3[%mul3A_2] : memref<2048xi32, #tpu.memory_space<hbm>> -> memref<64xi32, #tpu.memory_space<hbm>>
      %dma_start3A_30 = tpu.memref_slice %arg3[%mul3A_2] : memref<2048xi32, #tpu.memory_space<hbm>> -> memref<64xi32, #tpu.memory_space<hbm>>
      tpu.enqueue_dma source(%dma_start3A_30 : memref<64xi32, #tpu.memory_space<hbm>>) target(%arg7 : memref<64xi32, #tpu.memory_space<vmem>>) target_semaphore(%run_scoped3A : memref<!tpu.dma_semaphore, #tpu.memory_space<semaphore_mem>>)
      %dma_wait3A_31 = tpu.memref_slice %arg3[%mul3A_2] : memref<2048xi32, #tpu.memory_space<hbm>> -> memref<64xi32, #tpu.memory_space<hbm>>
      %dma_wait3A_32 = tpu.memref_slice %arg3[%mul3A_2] : memref<2048xi32, #tpu.memory_space<hbm>> -> memref<64xi32, #tpu.memory_space<hbm>>
      tpu.wait_dma2 semaphore(%run_scoped3A : memref<!tpu.dma_semaphore, #tpu.memory_space<semaphore_mem>>) src(%dma_wait3A_32 : memref<64xi32, #tpu.memory_space<hbm>>) dst(%arg7 : memref<64xi32, #tpu.memory_space<vmem>>)
      tpu.yield
    }) : () -> ()
    "tpu.region"() ({
      %run_scoped3A = tpu.sem_alloc : memref<!tpu.dma_semaphore, #tpu.memory_space<semaphore_mem>>
      %dma_start3A_29 = tpu.memref_slice %arg4[%mul3A_2] : memref<2048xi32, #tpu.memory_space<hbm>> -> memref<64xi32, #tpu.memory_space<hbm>>
      %dma_start3A_30 = tpu.memref_slice %arg4[%mul3A_2] : memref<2048xi32, #tpu.memory_space<hbm>> -> memref<64xi32, #tpu.memory_space<hbm>>
      tpu.enqueue_dma source(%dma_start3A_30 : memref<64xi32, #tpu.memory_space<hbm>>) target(%arg8 : memref<64xi32, #tpu.memory_space<vmem>>) target_semaphore(%run_scoped3A : memref<!tpu.dma_semaphore, #tpu.memory_space<semaphore_mem>>)
      %dma_wait3A_31 = tpu.memref_slice %arg4[%mul3A_2] : memref<2048xi32, #tpu.memory_space<hbm>> -> memref<64xi32, #tpu.memory_space<hbm>>
      %dma_wait3A_32 = tpu.memref_slice %arg4[%mul3A_2] : memref<2048xi32, #tpu.memory_space<hbm>> -> memref<64xi32, #tpu.memory_space<hbm>>
      tpu.wait_dma2 semaphore(%run_scoped3A : memref<!tpu.dma_semaphore, #tpu.memory_space<semaphore_mem>>) src(%dma_wait3A_32 : memref<64xi32, #tpu.memory_space<hbm>>) dst(%arg8 : memref<64xi32, #tpu.memory_space<vmem>>)
      tpu.yield
    }) : () -> ()
    %dma_start3A = arith.constant 0 : i32
    %dma_start3A_3 = arith.constant 0 : i32
    %dma_start3A_4 = tpu.memref_slice %arg2[%dma_start3A, %dma_start3A_3] : memref<6144x384xi32, #tpu.memory_space<hbm>> -> memref<6144x384xi32, #tpu.memory_space<hbm>>
    tpu.enqueue_indirect_dma source(%dma_start3A_4 : memref<6144x384xi32, #tpu.memory_space<hbm>>) target(%arg9 : memref<64x384xi32, #tpu.memory_space<vmem>>) offsets(%arg7 : memref<64xi32, #tpu.memory_space<vmem>>) semaphore(%arg11 : memref<!tpu.dma_semaphore, #tpu.memory_space<semaphore_mem>>)
    %dma_start3A_5 = arith.constant 0 : i32
    %dma_start3A_6 = arith.constant 0 : i32
    %dma_start3A_7 = tpu.memref_slice %arg2[%dma_start3A_5, %dma_start3A_6] : memref<6144x384xi32, #tpu.memory_space<hbm>> -> memref<6144x384xi32, #tpu.memory_space<hbm>>
    tpu.enqueue_indirect_dma source(%dma_start3A_7 : memref<6144x384xi32, #tpu.memory_space<hbm>>) target(%arg10 : memref<64x384xi32, #tpu.memory_space<vmem>>) offsets(%arg8 : memref<64xi32, #tpu.memory_space<vmem>>) semaphore(%arg12 : memref<!tpu.dma_semaphore, #tpu.memory_space<semaphore_mem>>)
    %dma_wait3A = arith.constant 0 : i32
    %dma_wait3A_8 = arith.constant 0 : i32
    %dma_wait3A_9 = tpu.memref_slice %arg2[%dma_wait3A, %dma_wait3A_8] : memref<6144x384xi32, #tpu.memory_space<hbm>> -> memref<6144x384xi32, #tpu.memory_space<hbm>>
    tpu.wait_indirect_dma semaphore(%arg11 : memref<!tpu.dma_semaphore, #tpu.memory_space<semaphore_mem>>) src(%dma_wait3A_9 : memref<6144x384xi32, #tpu.memory_space<hbm>>) dst(%arg9 : memref<64x384xi32, #tpu.memory_space<vmem>>)
    %dma_start3A_10 = arith.constant 0 : i32
    %dma_start3A_11 = tpu.memref_slice %arg5[%mul3A_2, %dma_start3A_10] : memref<2048x384xi32, #tpu.memory_space<hbm>> -> memref<64x384xi32, #tpu.memory_space<hbm>>
    %dma_start3A_12 = arith.constant 0 : i32
    %dma_start3A_13 = tpu.memref_slice %arg5[%mul3A_2, %dma_start3A_12] : memref<2048x384xi32, #tpu.memory_space<hbm>> -> memref<64x384xi32, #tpu.memory_space<hbm>>
    tpu.enqueue_dma source(%arg9 : memref<64x384xi32, #tpu.memory_space<vmem>>) target(%dma_start3A_13 : memref<64x384xi32, #tpu.memory_space<hbm>>) target_semaphore(%arg13 : memref<!tpu.dma_semaphore, #tpu.memory_space<semaphore_mem>>)
    %dma_wait3A_14 = arith.constant 0 : i32
    %dma_wait3A_15 = arith.constant 0 : i32
    %dma_wait3A_16 = tpu.memref_slice %arg2[%dma_wait3A_14, %dma_wait3A_15] : memref<6144x384xi32, #tpu.memory_space<hbm>> -> memref<6144x384xi32, #tpu.memory_space<hbm>>
    tpu.wait_indirect_dma semaphore(%arg12 : memref<!tpu.dma_semaphore, #tpu.memory_space<semaphore_mem>>) src(%dma_wait3A_16 : memref<6144x384xi32, #tpu.memory_space<hbm>>) dst(%arg10 : memref<64x384xi32, #tpu.memory_space<vmem>>)
    %dma_start3A_17 = arith.constant 0 : i32
    %dma_start3A_18 = tpu.memref_slice %arg6[%mul3A_2, %dma_start3A_17] : memref<2048x384xi32, #tpu.memory_space<hbm>> -> memref<64x384xi32, #tpu.memory_space<hbm>>
    %dma_start3A_19 = arith.constant 0 : i32
    %dma_start3A_20 = tpu.memref_slice %arg6[%mul3A_2, %dma_start3A_19] : memref<2048x384xi32, #tpu.memory_space<hbm>> -> memref<64x384xi32, #tpu.memory_space<hbm>>
    tpu.enqueue_dma source(%arg10 : memref<64x384xi32, #tpu.memory_space<vmem>>) target(%dma_start3A_20 : memref<64x384xi32, #tpu.memory_space<hbm>>) target_semaphore(%arg14 : memref<!tpu.dma_semaphore, #tpu.memory_space<semaphore_mem>>)
    %dma_wait3A_21 = arith.constant 0 : i32
    %dma_wait3A_22 = tpu.memref_slice %arg5[%mul3A_2, %dma_wait3A_21] : memref<2048x384xi32, #tpu.memory_space<hbm>> -> memref<64x384xi32, #tpu.memory_space<hbm>>
    %dma_wait3A_23 = arith.constant 0 : i32
    %dma_wait3A_24 = tpu.memref_slice %arg5[%mul3A_2, %dma_wait3A_23] : memref<2048x384xi32, #tpu.memory_space<hbm>> -> memref<64x384xi32, #tpu.memory_space<hbm>>
    tpu.wait_dma2 semaphore(%arg13 : memref<!tpu.dma_semaphore, #tpu.memory_space<semaphore_mem>>) src(%arg9 : memref<64x384xi32, #tpu.memory_space<vmem>>) dst(%dma_wait3A_24 : memref<64x384xi32, #tpu.memory_space<hbm>>)
    %dma_wait3A_25 = arith.constant 0 : i32
    %dma_wait3A_26 = tpu.memref_slice %arg6[%mul3A_2, %dma_wait3A_25] : memref<2048x384xi32, #tpu.memory_space<hbm>> -> memref<64x384xi32, #tpu.memory_space<hbm>>
    %dma_wait3A_27 = arith.constant 0 : i32
    %dma_wait3A_28 = tpu.memref_slice %arg6[%mul3A_2, %dma_wait3A_27] : memref<2048x384xi32, #tpu.memory_space<hbm>> -> memref<64x384xi32, #tpu.memory_space<hbm>>
    tpu.wait_dma2 semaphore(%arg14 : memref<!tpu.dma_semaphore, #tpu.memory_space<semaphore_mem>>) src(%arg10 : memref<64x384xi32, #tpu.memory_space<vmem>>) dst(%dma_wait3A_28 : memref<64x384xi32, #tpu.memory_space<hbm>>)
    return
  }
}

#map = affine_map<(d0, d1) -> (0)>
module attributes {stable_mosaic.version = 14 : i64} {
  func.func @k(%arg0: i32, %arg1: i32, %arg2: memref<2048xi32, #tpu.memory_space<hbm>>, %arg3: memref<2048xi32, #tpu.memory_space<hbm>>, %arg4: memref<2048xf32, #tpu.memory_space<hbm>>, %arg5: memref<2048xf32, #tpu.memory_space<hbm>>, %arg6: memref<6144xi32, #tpu.memory_space<hbm>>, %arg7: memref<6144xf32, #tpu.memory_space<hbm>>, %arg8: memref<6144xi32, #tpu.memory_space<vmem>>, %arg9: memref<6144xf32, #tpu.memory_space<vmem>>, %arg10: memref<2048xi32, #tpu.memory_space<vmem>>, %arg11: memref<2048xi32, #tpu.memory_space<vmem>>, %arg12: memref<2048xf32, #tpu.memory_space<vmem>>, %arg13: memref<2048xf32, #tpu.memory_space<vmem>>) attributes {dimension_semantics = [#tpu.dimension_semantics<core_parallel>, #tpu.dimension_semantics<subcore_parallel>], iteration_bounds = array<i64: 2, 16>, scalar_prefetch = 0 : i64, scratch_operands = 6 : i64, tpu.core_type = #tpu.core_type<sc_vector_subcore>, window_params = [{transform_indices = #map}, {transform_indices = #map}, {transform_indices = #map}, {transform_indices = #map}, {transform_indices = #map}, {transform_indices = #map}]} {
    %mul3A = arith.constant 2 : i32
    %mul3A_0 = arith.muli %arg1, %mul3A : i32
    %add3A = arith.addi %mul3A_0, %arg0 : i32
    %eq3A = arith.constant 0 : i32
    %eq3A_1 = arith.cmpi eq, %add3A, %eq3A : i32
    %convert_element_type3A = arith.extui %eq3A_1 : i1 to i32
    %cond3A = arith.constant 0 : i32
    %cond3A_2 = arith.cmpi ne, %convert_element_type3A, %cond3A : i32
    scf.if %cond3A_2 {
      "tpu.region"() ({
        %run_scoped3A = tpu.sem_alloc : memref<!tpu.dma_semaphore, #tpu.memory_space<semaphore_mem>>
        tpu.enqueue_dma source(%arg2 : memref<2048xi32, #tpu.memory_space<hbm>>) target(%arg10 : memref<2048xi32, #tpu.memory_space<vmem>>) target_semaphore(%run_scoped3A : memref<!tpu.dma_semaphore, #tpu.memory_space<semaphore_mem>>)
        tpu.wait_dma2 semaphore(%run_scoped3A : memref<!tpu.dma_semaphore, #tpu.memory_space<semaphore_mem>>) src(%arg2 : memref<2048xi32, #tpu.memory_space<hbm>>) dst(%arg10 : memref<2048xi32, #tpu.memory_space<vmem>>)
        tpu.yield
      }) : () -> ()
      "tpu.region"() ({
        %run_scoped3A = tpu.sem_alloc : memref<!tpu.dma_semaphore, #tpu.memory_space<semaphore_mem>>
        tpu.enqueue_dma source(%arg3 : memref<2048xi32, #tpu.memory_space<hbm>>) target(%arg11 : memref<2048xi32, #tpu.memory_space<vmem>>) target_semaphore(%run_scoped3A : memref<!tpu.dma_semaphore, #tpu.memory_space<semaphore_mem>>)
        tpu.wait_dma2 semaphore(%run_scoped3A : memref<!tpu.dma_semaphore, #tpu.memory_space<semaphore_mem>>) src(%arg3 : memref<2048xi32, #tpu.memory_space<hbm>>) dst(%arg11 : memref<2048xi32, #tpu.memory_space<vmem>>)
        tpu.yield
      }) : () -> ()
      "tpu.region"() ({
        %run_scoped3A = tpu.sem_alloc : memref<!tpu.dma_semaphore, #tpu.memory_space<semaphore_mem>>
        tpu.enqueue_dma source(%arg4 : memref<2048xf32, #tpu.memory_space<hbm>>) target(%arg12 : memref<2048xf32, #tpu.memory_space<vmem>>) target_semaphore(%run_scoped3A : memref<!tpu.dma_semaphore, #tpu.memory_space<semaphore_mem>>)
        tpu.wait_dma2 semaphore(%run_scoped3A : memref<!tpu.dma_semaphore, #tpu.memory_space<semaphore_mem>>) src(%arg4 : memref<2048xf32, #tpu.memory_space<hbm>>) dst(%arg12 : memref<2048xf32, #tpu.memory_space<vmem>>)
        tpu.yield
      }) : () -> ()
      "tpu.region"() ({
        %run_scoped3A = tpu.sem_alloc : memref<!tpu.dma_semaphore, #tpu.memory_space<semaphore_mem>>
        tpu.enqueue_dma source(%arg5 : memref<2048xf32, #tpu.memory_space<hbm>>) target(%arg13 : memref<2048xf32, #tpu.memory_space<vmem>>) target_semaphore(%run_scoped3A : memref<!tpu.dma_semaphore, #tpu.memory_space<semaphore_mem>>)
        tpu.wait_dma2 semaphore(%run_scoped3A : memref<!tpu.dma_semaphore, #tpu.memory_space<semaphore_mem>>) src(%arg5 : memref<2048xf32, #tpu.memory_space<hbm>>) dst(%arg13 : memref<2048xf32, #tpu.memory_space<vmem>>)
        tpu.yield
      }) : () -> ()
      %broadcast_in_dim3A = arith.constant 0 : i32
      %broadcast_in_dim3A_3 = vector.broadcast %broadcast_in_dim3A : i32 to vector<16xi32>
      %broadcast_in_dim3A_4 = arith.constant 0.000000e+00 : f32
      %broadcast_in_dim3A_5 = vector.broadcast %broadcast_in_dim3A_4 : f32 to vector<16xf32>
      %scan3A = arith.constant 0 : i32
      %scan3A_6 = arith.constant 0 : i32
      %scan3A_7 = arith.constant 384 : i32
      %scan3A_8 = arith.addi %scan3A_6, %scan3A_7 : i32
      %scan3A_9 = arith.constant 1 : i32
      scf.for %scan3A_17 = %scan3A_6 to %scan3A_8 step %scan3A_9  : i32 {
        %mul3A_18 = arith.constant 16 : i32
        %mul3A_19 = arith.muli %scan3A_17, %mul3A_18 : i32
        %swap3A = arith.index_cast %mul3A_19 : i32 to index
        %swap3A_20 = tpu.vector_load %arg8[%swap3A] {strides = array<i32>} : memref<6144xi32, #tpu.memory_space<vmem>>, vector<16xi32>,
        tpu.vector_store %arg8[%swap3A], %broadcast_in_dim3A_3 {strides = array<i32>} : memref<6144xi32, #tpu.memory_space<vmem>>, vector<16xi32>,
        %mul3A_21 = arith.constant 16 : i32
        %mul3A_22 = arith.muli %scan3A_17, %mul3A_21 : i32
        %swap3A_23 = arith.index_cast %mul3A_22 : i32 to index
        %swap3A_24 = tpu.vector_load %arg9[%swap3A_23] {strides = array<i32>} : memref<6144xf32, #tpu.memory_space<vmem>>, vector<16xf32>,
        tpu.vector_store %arg9[%swap3A_23], %broadcast_in_dim3A_5 {strides = array<i32>} : memref<6144xf32, #tpu.memory_space<vmem>>, vector<16xf32>,
      }
      %scan3A_10 = arith.constant 384 : i32
      %iota3A = tpu.iota {dimensions = array<i32: 0>} : vector<16xi32>
      %scan3A_11 = arith.constant 0 : i32
      %scan3A_12 = arith.constant 0 : i32
      %scan3A_13 = arith.constant 128 : i32
      %scan3A_14 = arith.addi %scan3A_12, %scan3A_13 : i32
      %scan3A_15 = arith.constant 1 : i32
      scf.for %scan3A_17 = %scan3A_12 to %scan3A_14 step %scan3A_15  : i32 {
        %mul3A_18 = arith.constant 16 : i32
        %mul3A_19 = arith.muli %scan3A_17, %mul3A_18 : i32
        %add3A_20 = vector.broadcast %mul3A_19 : i32 to vector<16xi32>
        %add3A_21 = arith.addi %iota3A, %add3A_20 : vector<16xi32>
        %mul3A_22 = arith.constant 16 : i32
        %mul3A_23 = arith.muli %scan3A_17, %mul3A_22 : i32
        %get3A = arith.index_cast %mul3A_23 : i32 to index
        %get3A_24 = tpu.vector_load %arg10[%get3A] {strides = array<i32>} : memref<2048xi32, #tpu.memory_space<vmem>>, vector<16xi32>,
        tpu.vector_store_idx %arg8[%get3A_24], %add3A_21 : memref<6144xi32, #tpu.memory_space<vmem>>[vector<16xi32>], vector<16xi32>,
        %mul3A_25 = arith.constant 16 : i32
        %mul3A_26 = arith.muli %scan3A_17, %mul3A_25 : i32
        %get3A_27 = arith.index_cast %mul3A_26 : i32 to index
        %get3A_28 = tpu.vector_load %arg12[%get3A_27] {strides = array<i32>} : memref<2048xf32, #tpu.memory_space<vmem>>, vector<16xf32>,
        tpu.vector_store_idx %arg9[%get3A_24], %get3A_28 : memref<6144xf32, #tpu.memory_space<vmem>>[vector<16xi32>], vector<16xf32>,
        %mul3A_29 = arith.constant 16 : i32
        %mul3A_30 = arith.muli %scan3A_17, %mul3A_29 : i32
        %get3A_31 = arith.index_cast %mul3A_30 : i32 to index
        %get3A_32 = tpu.vector_load %arg11[%get3A_31] {strides = array<i32>} : memref<2048xi32, #tpu.memory_space<vmem>>, vector<16xi32>,
        tpu.vector_store_idx %arg8[%get3A_32], %add3A_21 : memref<6144xi32, #tpu.memory_space<vmem>>[vector<16xi32>], vector<16xi32>,
        %mul3A_33 = arith.constant 16 : i32
        %mul3A_34 = arith.muli %scan3A_17, %mul3A_33 : i32
        %get3A_35 = arith.index_cast %mul3A_34 : i32 to index
        %get3A_36 = tpu.vector_load %arg13[%get3A_35] {strides = array<i32>} : memref<2048xf32, #tpu.memory_space<vmem>>, vector<16xf32>,
        tpu.vector_store_idx %arg9[%get3A_32], %get3A_36 : memref<6144xf32, #tpu.memory_space<vmem>>[vector<16xi32>], vector<16xf32>,
      }
      %scan3A_16 = arith.constant 128 : i32
      "tpu.region"() ({
        %run_scoped3A = tpu.sem_alloc : memref<!tpu.dma_semaphore, #tpu.memory_space<semaphore_mem>>
        tpu.enqueue_dma source(%arg8 : memref<6144xi32, #tpu.memory_space<vmem>>) target(%arg6 : memref<6144xi32, #tpu.memory_space<hbm>>) target_semaphore(%run_scoped3A : memref<!tpu.dma_semaphore, #tpu.memory_space<semaphore_mem>>)
        tpu.wait_dma2 semaphore(%run_scoped3A : memref<!tpu.dma_semaphore, #tpu.memory_space<semaphore_mem>>) src(%arg8 : memref<6144xi32, #tpu.memory_space<vmem>>) dst(%arg6 : memref<6144xi32, #tpu.memory_space<hbm>>)
        tpu.yield
      }) : () -> ()
      "tpu.region"() ({
        %run_scoped3A = tpu.sem_alloc : memref<!tpu.dma_semaphore, #tpu.memory_space<semaphore_mem>>
        tpu.enqueue_dma source(%arg9 : memref<6144xf32, #tpu.memory_space<vmem>>) target(%arg7 : memref<6144xf32, #tpu.memory_space<hbm>>) target_semaphore(%run_scoped3A : memref<!tpu.dma_semaphore, #tpu.memory_space<semaphore_mem>>)
        tpu.wait_dma2 semaphore(%run_scoped3A : memref<!tpu.dma_semaphore, #tpu.memory_space<semaphore_mem>>) src(%arg9 : memref<6144xf32, #tpu.memory_space<vmem>>) dst(%arg7 : memref<6144xf32, #tpu.memory_space<hbm>>)
        tpu.yield
      }) : () -> ()
    } else {
    }
    return
  }
}

#map = affine_map<(d0, d1) -> (0, 0)>
#map1 = affine_map<(d0, d1) -> (0)>
module attributes {stable_mosaic.version = 14 : i64} {
  func.func @k(%arg0: i32, %arg1: i32, %arg2: memref<2048x384xi32, #tpu.memory_space<hbm>>, %arg3: memref<6144xi32, #tpu.memory_space<hbm>>, %arg4: memref<6144x384xi32, #tpu.memory_space<hbm>>, %arg5: memref<192xi32, #tpu.memory_space<vmem>>, %arg6: memref<64x384xi32, #tpu.memory_space<vmem>>, %arg7: memref<64x384xi32, #tpu.memory_space<vmem>>, %arg8: memref<!tpu.dma_semaphore, #tpu.memory_space<semaphore_mem>>, %arg9: memref<!tpu.dma_semaphore, #tpu.memory_space<semaphore_mem>>, %arg10: memref<!tpu.dma_semaphore, #tpu.memory_space<semaphore_mem>>, %arg11: memref<!tpu.dma_semaphore, #tpu.memory_space<semaphore_mem>>) attributes {dimension_semantics = [#tpu.dimension_semantics<core_parallel>, #tpu.dimension_semantics<subcore_parallel>], iteration_bounds = array<i64: 2, 16>, scalar_prefetch = 0 : i64, scratch_operands = 7 : i64, tpu.core_type = #tpu.core_type<sc_vector_subcore>, window_params = [{transform_indices = #map}, {transform_indices = #map1}, {transform_indices = #map}]} {
    %mul3A = arith.constant 2 : i32
    %mul3A_0 = arith.muli %arg1, %mul3A : i32
    %add3A = arith.addi %mul3A_0, %arg0 : i32
    %mul3A_1 = arith.constant 192 : i32
    %mul3A_2 = arith.muli %add3A, %mul3A_1 : i32
    "tpu.region"() ({
      %run_scoped3A = tpu.sem_alloc : memref<!tpu.dma_semaphore, #tpu.memory_space<semaphore_mem>>
      %dma_start3A_61 = tpu.memref_slice %arg3[%mul3A_2] : memref<6144xi32, #tpu.memory_space<hbm>> -> memref<192xi32, #tpu.memory_space<hbm>>
      %dma_start3A_62 = tpu.memref_slice %arg3[%mul3A_2] : memref<6144xi32, #tpu.memory_space<hbm>> -> memref<192xi32, #tpu.memory_space<hbm>>
      tpu.enqueue_dma source(%dma_start3A_62 : memref<192xi32, #tpu.memory_space<hbm>>) target(%arg5 : memref<192xi32, #tpu.memory_space<vmem>>) target_semaphore(%run_scoped3A : memref<!tpu.dma_semaphore, #tpu.memory_space<semaphore_mem>>)
      %dma_wait3A_63 = tpu.memref_slice %arg3[%mul3A_2] : memref<6144xi32, #tpu.memory_space<hbm>> -> memref<192xi32, #tpu.memory_space<hbm>>
      %dma_wait3A_64 = tpu.memref_slice %arg3[%mul3A_2] : memref<6144xi32, #tpu.memory_space<hbm>> -> memref<192xi32, #tpu.memory_space<hbm>>
      tpu.wait_dma2 semaphore(%run_scoped3A : memref<!tpu.dma_semaphore, #tpu.memory_space<semaphore_mem>>) src(%dma_wait3A_64 : memref<192xi32, #tpu.memory_space<hbm>>) dst(%arg5 : memref<192xi32, #tpu.memory_space<vmem>>)
      tpu.yield
    }) : () -> ()
    %dma_start3A = arith.constant 0 : i32
    %dma_start3A_3 = tpu.memref_slice %arg5[%dma_start3A] : memref<192xi32, #tpu.memory_space<vmem>> -> memref<64xi32, #tpu.memory_space<vmem>>
    %dma_start3A_4 = arith.constant 0 : i32
    %dma_start3A_5 = arith.constant 0 : i32
    %dma_start3A_6 = tpu.memref_slice %arg2[%dma_start3A_4, %dma_start3A_5] : memref<2048x384xi32, #tpu.memory_space<hbm>> -> memref<2048x384xi32, #tpu.memory_space<hbm>>
    tpu.enqueue_indirect_dma source(%dma_start3A_6 : memref<2048x384xi32, #tpu.memory_space<hbm>>) target(%arg6 : memref<64x384xi32, #tpu.memory_space<vmem>>) offsets(%dma_start3A_3 : memref<64xi32, #tpu.memory_space<vmem>>) semaphore(%arg8 : memref<!tpu.dma_semaphore, #tpu.memory_space<semaphore_mem>>)
    %dma_start3A_7 = arith.constant 64 : i32
    %dma_start3A_8 = tpu.memref_slice %arg5[%dma_start3A_7] : memref<192xi32, #tpu.memory_space<vmem>> -> memref<64xi32, #tpu.memory_space<vmem>>
    %dma_start3A_9 = arith.constant 0 : i32
    %dma_start3A_10 = arith.constant 0 : i32
    %dma_start3A_11 = tpu.memref_slice %arg2[%dma_start3A_9, %dma_start3A_10] : memref<2048x384xi32, #tpu.memory_space<hbm>> -> memref<2048x384xi32, #tpu.memory_space<hbm>>
    tpu.enqueue_indirect_dma source(%dma_start3A_11 : memref<2048x384xi32, #tpu.memory_space<hbm>>) target(%arg7 : memref<64x384xi32, #tpu.memory_space<vmem>>) offsets(%dma_start3A_8 : memref<64xi32, #tpu.memory_space<vmem>>) semaphore(%arg9 : memref<!tpu.dma_semaphore, #tpu.memory_space<semaphore_mem>>)
    %dma_wait3A = arith.constant 0 : i32
    %dma_wait3A_12 = tpu.memref_slice %arg5[%dma_wait3A] : memref<192xi32, #tpu.memory_space<vmem>> -> memref<64xi32, #tpu.memory_space<vmem>>
    %dma_wait3A_13 = arith.constant 0 : i32
    %dma_wait3A_14 = arith.constant 0 : i32
    %dma_wait3A_15 = tpu.memref_slice %arg2[%dma_wait3A_13, %dma_wait3A_14] : memref<2048x384xi32, #tpu.memory_space<hbm>> -> memref<2048x384xi32, #tpu.memory_space<hbm>>
    tpu.wait_indirect_dma semaphore(%arg8 : memref<!tpu.dma_semaphore, #tpu.memory_space<semaphore_mem>>) src(%dma_wait3A_15 : memref<2048x384xi32, #tpu.memory_space<hbm>>) dst(%arg6 : memref<64x384xi32, #tpu.memory_space<vmem>>)
    %add3A_16 = arith.constant 0 : i32
    %add3A_17 = arith.addi %mul3A_2, %add3A_16 : i32
    %dma_start3A_18 = arith.constant 0 : i32
    %dma_start3A_19 = tpu.memref_slice %arg4[%add3A_17, %dma_start3A_18] : memref<6144x384xi32, #tpu.memory_space<hbm>> -> memref<64x384xi32, #tpu.memory_space<hbm>>
    %dma_start3A_20 = arith.constant 0 : i32
    %dma_start3A_21 = tpu.memref_slice %arg4[%add3A_17, %dma_start3A_20] : memref<6144x384xi32, #tpu.memory_space<hbm>> -> memref<64x384xi32, #tpu.memory_space<hbm>>
    tpu.enqueue_dma source(%arg6 : memref<64x384xi32, #tpu.memory_space<vmem>>) target(%dma_start3A_21 : memref<64x384xi32, #tpu.memory_space<hbm>>) target_semaphore(%arg10 : memref<!tpu.dma_semaphore, #tpu.memory_space<semaphore_mem>>)
    %dma_wait3A_22 = arith.constant 0 : i32
    %dma_wait3A_23 = tpu.memref_slice %arg4[%add3A_17, %dma_wait3A_22] : memref<6144x384xi32, #tpu.memory_space<hbm>> -> memref<64x384xi32, #tpu.memory_space<hbm>>
    %dma_wait3A_24 = arith.constant 0 : i32
    %dma_wait3A_25 = tpu.memref_slice %arg4[%add3A_17, %dma_wait3A_24] : memref<6144x384xi32, #tpu.memory_space<hbm>> -> memref<64x384xi32, #tpu.memory_space<hbm>>
    tpu.wait_dma2 semaphore(%arg10 : memref<!tpu.dma_semaphore, #tpu.memory_space<semaphore_mem>>) src(%arg6 : memref<64x384xi32, #tpu.memory_space<vmem>>) dst(%dma_wait3A_25 : memref<64x384xi32, #tpu.memory_space<hbm>>)
    %dma_start3A_26 = arith.constant 128 : i32
    %dma_start3A_27 = tpu.memref_slice %arg5[%dma_start3A_26] : memref<192xi32, #tpu.memory_space<vmem>> -> memref<64xi32, #tpu.memory_space<vmem>>
    %dma_start3A_28 = arith.constant 0 : i32
    %dma_start3A_29 = arith.constant 0 : i32
    %dma_start3A_30 = tpu.memref_slice %arg2[%dma_start3A_28, %dma_start3A_29] : memref<2048x384xi32, #tpu.memory_space<hbm>> -> memref<2048x384xi32, #tpu.memory_space<hbm>>
    tpu.enqueue_indirect_dma source(%dma_start3A_30 : memref<2048x384xi32, #tpu.memory_space<hbm>>) target(%arg6 : memref<64x384xi32, #tpu.memory_space<vmem>>) offsets(%dma_start3A_27 : memref<64xi32, #tpu.memory_space<vmem>>) semaphore(%arg8 : memref<!tpu.dma_semaphore, #tpu.memory_space<semaphore_mem>>)
    %dma_wait3A_31 = arith.constant 64 : i32
    %dma_wait3A_32 = tpu.memref_slice %arg5[%dma_wait3A_31] : memref<192xi32, #tpu.memory_space<vmem>> -> memref<64xi32, #tpu.memory_space<vmem>>
    %dma_wait3A_33 = arith.constant 0 : i32
    %dma_wait3A_34 = arith.constant 0 : i32
    %dma_wait3A_35 = tpu.memref_slice %arg2[%dma_wait3A_33, %dma_wait3A_34] : memref<2048x384xi32, #tpu.memory_space<hbm>> -> memref<2048x384xi32, #tpu.memory_space<hbm>>
    tpu.wait_indirect_dma semaphore(%arg9 : memref<!tpu.dma_semaphore, #tpu.memory_space<semaphore_mem>>) src(%dma_wait3A_35 : memref<2048x384xi32, #tpu.memory_space<hbm>>) dst(%arg7 : memref<64x384xi32, #tpu.memory_space<vmem>>)
    %add3A_36 = arith.constant 64 : i32
    %add3A_37 = arith.addi %mul3A_2, %add3A_36 : i32
    %dma_start3A_38 = arith.constant 0 : i32
    %dma_start3A_39 = tpu.memref_slice %arg4[%add3A_37, %dma_start3A_38] : memref<6144x384xi32, #tpu.memory_space<hbm>> -> memref<64x384xi32, #tpu.memory_space<hbm>>
    %dma_start3A_40 = arith.constant 0 : i32
    %dma_start3A_41 = tpu.memref_slice %arg4[%add3A_37, %dma_start3A_40] : memref<6144x384xi32, #tpu.memory_space<hbm>> -> memref<64x384xi32, #tpu.memory_space<hbm>>
    tpu.enqueue_dma source(%arg7 : memref<64x384xi32, #tpu.memory_space<vmem>>) target(%dma_start3A_41 : memref<64x384xi32, #tpu.memory_space<hbm>>) target_semaphore(%arg11 : memref<!tpu.dma_semaphore, #tpu.memory_space<semaphore_mem>>)
    %dma_wait3A_42 = arith.constant 128 : i32
    %dma_wait3A_43 = tpu.memref_slice %arg5[%dma_wait3A_42] : memref<192xi32, #tpu.memory_space<vmem>> -> memref<64xi32, #tpu.memory_space<vmem>>
    %dma_wait3A_44 = arith.constant 0 : i32
    %dma_wait3A_45 = arith.constant 0 : i32
    %dma_wait3A_46 = tpu.memref_slice %arg2[%dma_wait3A_44, %dma_wait3A_45] : memref<2048x384xi32, #tpu.memory_space<hbm>> -> memref<2048x384xi32, #tpu.memory_space<hbm>>
    tpu.wait_indirect_dma semaphore(%arg8 : memref<!tpu.dma_semaphore, #tpu.memory_space<semaphore_mem>>) src(%dma_wait3A_46 : memref<2048x384xi32, #tpu.memory_space<hbm>>) dst(%arg6 : memref<64x384xi32, #tpu.memory_space<vmem>>)
    %add3A_47 = arith.constant 128 : i32
    %add3A_48 = arith.addi %mul3A_2, %add3A_47 : i32
    %dma_start3A_49 = arith.constant 0 : i32
    %dma_start3A_50 = tpu.memref_slice %arg4[%add3A_48, %dma_start3A_49] : memref<6144x384xi32, #tpu.memory_space<hbm>> -> memref<64x384xi32, #tpu.memory_space<hbm>>
    %dma_start3A_51 = arith.constant 0 : i32
    %dma_start3A_52 = tpu.memref_slice %arg4[%add3A_48, %dma_start3A_51] : memref<6144x384xi32, #tpu.memory_space<hbm>> -> memref<64x384xi32, #tpu.memory_space<hbm>>
    tpu.enqueue_dma source(%arg6 : memref<64x384xi32, #tpu.memory_space<vmem>>) target(%dma_start3A_52 : memref<64x384xi32, #tpu.memory_space<hbm>>) target_semaphore(%arg10 : memref<!tpu.dma_semaphore, #tpu.memory_space<semaphore_mem>>)
    %dma_wait3A_53 = arith.constant 0 : i32
    %dma_wait3A_54 = tpu.memref_slice %arg4[%add3A_37, %dma_wait3A_53] : memref<6144x384xi32, #tpu.memory_space<hbm>> -> memref<64x384xi32, #tpu.memory_space<hbm>>
    %dma_wait3A_55 = arith.constant 0 : i32
    %dma_wait3A_56 = tpu.memref_slice %arg4[%add3A_37, %dma_wait3A_55] : memref<6144x384xi32, #tpu.memory_space<hbm>> -> memref<64x384xi32, #tpu.memory_space<hbm>>
    tpu.wait_dma2 semaphore(%arg11 : memref<!tpu.dma_semaphore, #tpu.memory_space<semaphore_mem>>) src(%arg7 : memref<64x384xi32, #tpu.memory_space<vmem>>) dst(%dma_wait3A_56 : memref<64x384xi32, #tpu.memory_space<hbm>>)
    %dma_wait3A_57 = arith.constant 0 : i32
    %dma_wait3A_58 = tpu.memref_slice %arg4[%add3A_48, %dma_wait3A_57] : memref<6144x384xi32, #tpu.memory_space<hbm>> -> memref<64x384xi32, #tpu.memory_space<hbm>>
    %dma_wait3A_59 = arith.constant 0 : i32
    %dma_wait3A_60 = tpu.memref_slice %arg4[%add3A_48, %dma_wait3A_59] : memref<6144x384xi32, #tpu.memory_space<hbm>> -> memref<64x384xi32, #tpu.memory_space<hbm>>
    tpu.wait_dma2 semaphore(%arg10 : memref<!tpu.dma_semaphore, #tpu.memory_space<semaphore_mem>>) src(%arg6 : memref<64x384xi32, #tpu.memory_space<vmem>>) dst(%dma_wait3A_60 : memref<64x384xi32, #tpu.memory_space<hbm>>)
    return
  }
}

module attributes {stable_mosaic.version = 14 : i64} {
  func.func @_qkv_body(%arg0: i32, %arg1: memref<2048x768xbf16, #tpu.memory_space<vmem>>, %arg2: memref<256x768xf32, #tpu.memory_space<vmem>>, %arg3: memref<256x1xf32, #tpu.memory_space<vmem>>, %arg4: memref<4x64x2048xbf16, #tpu.memory_space<vmem>>) attributes {dimension_semantics = [#tpu.dimension_semantics<arbitrary>], iteration_bounds = array<i64: 9>, scalar_prefetch = 0 : i64, scratch_operands = 0 : i64, tpu.core_type = #tpu.core_type<tc>, window_params = [{pipeline_mode = #tpu.pipeline_mode<synchronous>, transform_indices = @transform_0, window_bounds = array<i64: 2048, 768>}, {transform_indices = @transform_1, window_bounds = array<i64: 256, 768>}, {transform_indices = @transform_2, window_bounds = array<i64: 256, 1>}, {transform_indices = @transform_3, window_bounds = array<i64: 4, 64, 2048>}]} {
    %get3A = arith.constant 0 : index
    %get3A_0 = arith.constant 0 : index
    %get3A_1 = vector.load %arg2[%get3A, %get3A_0] : memref<256x768xf32, #tpu.memory_space<vmem>>, vector<256x768xf32>
    %convert_element_type3A = arith.truncf %get3A_1 : vector<256x768xf32> to vector<256x768xbf16>
    %get3A_2 = arith.constant 0 : index
    %get3A_3 = arith.constant 0 : index
    %get3A_4 = vector.load %arg1[%get3A_2, %get3A_3] : memref<2048x768xbf16, #tpu.memory_space<vmem>>, vector<2048x768xbf16>
    %dot_general3A = arith.constant dense<0.000000e+00> : vector<256x2048xf32>
    %dot_general3A_5 = tpu.matmul %convert_element_type3A, %get3A_4, %dot_general3A {dimension_numbers = #tpu.dot_dimension_numbers<[1], [1], [0], [0], [0, 0, 1, 0], [], []>, transpose_lhs_hint = false} : vector<256x768xbf16>, vector<2048x768xbf16>, vector<256x2048xf32> -> vector<256x2048xf32>
    %get3A_6 = arith.constant 0 : index
    %get3A_7 = arith.constant 0 : index
    %get3A_8 = vector.load %arg3[%get3A_6, %get3A_7] : memref<256x1xf32, #tpu.memory_space<vmem>>, vector<256x1xf32>
    %add3A = vector.broadcast %get3A_8 : vector<256x1xf32> to vector<256x2048xf32>
    %add3A_9 = arith.addf %dot_general3A_5, %add3A : vector<256x2048xf32>
    %reshape3A = vector.shape_cast %add3A_9 : vector<256x2048xf32> to vector<4x64x2048xf32>
    %convert_element_type3A_10 = arith.truncf %reshape3A : vector<4x64x2048xf32> to vector<4x64x2048xbf16>
    %swap3A = arith.constant 0 : index
    %swap3A_11 = arith.constant 0 : index
    %swap3A_12 = arith.constant 0 : index
    %swap3A_13 = vector.load %arg4[%swap3A, %swap3A_11, %swap3A_12] : memref<4x64x2048xbf16, #tpu.memory_space<vmem>>, vector<4x64x2048xbf16>
    tpu.vector_store %arg4[%swap3A, %swap3A_11, %swap3A_12], %convert_element_type3A_10 {strides = array<i32>} : memref<4x64x2048xbf16, #tpu.memory_space<vmem>>, vector<4x64x2048xbf16>,
    return
  }
  func.func @transform_0(%arg0: i32) -> (i32, i32) {
    %c0_i32 = arith.constant 0 : i32
    %c0_i32_0 = arith.constant 0 : i32
    %c0_i32_1 = arith.constant 0 : i32
    return %c0_i32, %c0_i32_0 : i32, i32
  }
  func.func @transform_1(%arg0: i32) -> (i32, i32) {
    %c0_i32 = arith.constant 0 : i32
    %c0_i32_0 = arith.constant 0 : i32
    return %arg0, %c0_i32 : i32, i32
  }
  func.func @transform_2(%arg0: i32) -> (i32, i32) {
    %c0_i32 = arith.constant 0 : i32
    %c0_i32_0 = arith.constant 0 : i32
    return %arg0, %c0_i32 : i32, i32
  }
  func.func @transform_3(%arg0: i32) -> (i32, i32, i32) {
    %c0_i32 = arith.constant 0 : i32
    %c0_i32_0 = arith.constant 0 : i32
    %c0_i32_1 = arith.constant 0 : i32
    return %arg0, %c0_i32, %c0_i32_0 : i32, i32, i32
  }
}

module attributes {stable_mosaic.version = 14 : i64} {
  func.func @_attn_body(%arg0: i32, %arg1: i32, %arg2: memref<1x64x256xbf16, #tpu.memory_space<vmem>>, %arg3: memref<1x64x2048xbf16, #tpu.memory_space<vmem>>, %arg4: memref<1x64x2048xbf16, #tpu.memory_space<vmem>>, %arg5: memref<1x64x256xbf16, #tpu.memory_space<vmem>>) attributes {dimension_semantics = [#tpu.dimension_semantics<arbitrary>, #tpu.dimension_semantics<arbitrary>], iteration_bounds = array<i64: 12, 8>, scalar_prefetch = 0 : i64, scratch_operands = 0 : i64, tpu.core_type = #tpu.core_type<tc>, window_params = [{transform_indices = @transform_0, window_bounds = array<i64: 1, 64, 256>}, {transform_indices = @transform_1, window_bounds = array<i64: 1, 64, 2048>}, {transform_indices = @transform_2, window_bounds = array<i64: 1, 64, 2048>}, {transform_indices = @transform_3, window_bounds = array<i64: 1, 64, 256>}]} {
    %get3A = arith.constant 0 : index
    %get3A_0 = arith.constant 0 : index
    %get3A_1 = arith.constant 0 : index
    %get3A_2 = vector.load %arg2[%get3A, %get3A_0, %get3A_1] : memref<1x64x256xbf16, #tpu.memory_space<vmem>>, vector<1x64x256xbf16>
    %get3A_3 = vector.shape_cast %get3A_2 : vector<1x64x256xbf16> to vector<64x256xbf16>
    %get3A_4 = arith.constant 0 : index
    %get3A_5 = arith.constant 0 : index
    %get3A_6 = arith.constant 0 : index
    %get3A_7 = vector.load %arg3[%get3A_4, %get3A_5, %get3A_6] : memref<1x64x2048xbf16, #tpu.memory_space<vmem>>, vector<1x64x2048xbf16>
    %get3A_8 = vector.shape_cast %get3A_7 : vector<1x64x2048xbf16> to vector<64x2048xbf16>
    %get3A_9 = arith.constant 0 : index
    %get3A_10 = arith.constant 0 : index
    %get3A_11 = arith.constant 0 : index
    %get3A_12 = vector.load %arg4[%get3A_9, %get3A_10, %get3A_11] : memref<1x64x2048xbf16, #tpu.memory_space<vmem>>, vector<1x64x2048xbf16>
    %get3A_13 = vector.shape_cast %get3A_12 : vector<1x64x2048xbf16> to vector<64x2048xbf16>
    %dot_general3A = arith.constant dense<0.000000e+00> : vector<256x2048xf32>
    %dot_general3A_14 = tpu.matmul %get3A_3, %get3A_8, %dot_general3A {dimension_numbers = #tpu.dot_dimension_numbers<[0], [0], [1], [1], [0, 1, 1, 1], [], []>, transpose_lhs_hint = false} : vector<64x256xbf16>, vector<64x2048xbf16>, vector<256x2048xf32> -> vector<256x2048xf32>
    %mul3A = arith.constant 1.250000e-01 : f32
    %mul3A_15 = vector.broadcast %mul3A : f32 to vector<256x2048xf32>
    %mul3A_16 = arith.mulf %dot_general3A_14, %mul3A_15 : vector<256x2048xf32>
    %reduce_max3A = arith.constant dense<0xFF800000> : vector<256xf32>
    %reduce_max3A_17 = vector.multi_reduction <maximumf>, %mul3A_16, %reduce_max3A [1] : vector<256x2048xf32> to vector<256xf32>
    %broadcast_in_dim3A = vector.shape_cast %reduce_max3A_17 : vector<256xf32> to vector<256x1xf32>
    %sub3A = vector.broadcast %broadcast_in_dim3A : vector<256x1xf32> to vector<256x2048xf32>
    %sub3A_18 = arith.subf %mul3A_16, %sub3A : vector<256x2048xf32>
    %exp3A = math.exp %sub3A_18 : vector<256x2048xf32>
    %reduce_sum3A = arith.constant dense<0.000000e+00> : vector<256xf32>
    %reduce_sum3A_19 = vector.multi_reduction <add>, %exp3A, %reduce_sum3A [1] : vector<256x2048xf32> to vector<256xf32>
    %broadcast_in_dim3A_20 = vector.shape_cast %reduce_sum3A_19 : vector<256xf32> to vector<256x1xf32>
    %div3A = vector.broadcast %broadcast_in_dim3A_20 : vector<256x1xf32> to vector<256x2048xf32>
    %div3A_21 = arith.divf %exp3A, %div3A : vector<256x2048xf32>
    %convert_element_type3A = arith.truncf %div3A_21 : vector<256x2048xf32> to vector<256x2048xbf16>
    %dot_general3A_22 = arith.constant dense<0.000000e+00> : vector<64x256xf32>
    %dot_general3A_23 = tpu.matmul %get3A_13, %convert_element_type3A, %dot_general3A_22 {dimension_numbers = #tpu.dot_dimension_numbers<[1], [1], [0], [0], [0, 0, 1, 0], [], []>, transpose_lhs_hint = false} : vector<64x2048xbf16>, vector<256x2048xbf16>, vector<64x256xf32> -> vector<64x256xf32>
    %convert_element_type3A_24 = arith.truncf %dot_general3A_23 : vector<64x256xf32> to vector<64x256xbf16>
    %swap3A = arith.constant 0 : index
    %swap3A_25 = arith.constant 0 : index
    %swap3A_26 = arith.constant 0 : index
    %swap3A_27 = vector.load %arg5[%swap3A, %swap3A_25, %swap3A_26] : memref<1x64x256xbf16, #tpu.memory_space<vmem>>, vector<1x64x256xbf16>
    %swap3A_28 = vector.shape_cast %swap3A_27 : vector<1x64x256xbf16> to vector<64x256xbf16>
    %swap3A_29 = vector.shape_cast %convert_element_type3A_24 : vector<64x256xbf16> to vector<1x64x256xbf16>
    tpu.vector_store %arg5[%swap3A, %swap3A_25, %swap3A_26], %swap3A_29 {strides = array<i32>} : memref<1x64x256xbf16, #tpu.memory_space<vmem>>, vector<1x64x256xbf16>,
    return
  }
  func.func @transform_0(%arg0: i32, %arg1: i32) -> (i32, i32, i32) {
    %c0_i32 = arith.constant 0 : i32
    %c0_i32_0 = arith.constant 0 : i32
    return %arg0, %c0_i32, %arg1 : i32, i32, i32
  }
  func.func @transform_1(%arg0: i32, %arg1: i32) -> (i32, i32, i32) {
    %add3A = arith.constant 12 : i32
    %add3A_0 = arith.addi %add3A, %arg0 : i32
    %c0_i32 = arith.constant 0 : i32
    %c0_i32_1 = arith.constant 0 : i32
    %c0_i32_2 = arith.constant 0 : i32
    return %add3A_0, %c0_i32, %c0_i32_1 : i32, i32, i32
  }
  func.func @transform_2(%arg0: i32, %arg1: i32) -> (i32, i32, i32) {
    %add3A = arith.constant 24 : i32
    %add3A_0 = arith.addi %add3A, %arg0 : i32
    %c0_i32 = arith.constant 0 : i32
    %c0_i32_1 = arith.constant 0 : i32
    %c0_i32_2 = arith.constant 0 : i32
    return %add3A_0, %c0_i32, %c0_i32_1 : i32, i32, i32
  }
  func.func @transform_3(%arg0: i32, %arg1: i32) -> (i32, i32, i32) {
    %c0_i32 = arith.constant 0 : i32
    %c0_i32_0 = arith.constant 0 : i32
    return %arg0, %c0_i32, %arg1 : i32, i32, i32
  }
}

module attributes {stable_mosaic.version = 14 : i64} {
  func.func @_router_body(%arg0: memref<12x64x2048xbf16, #tpu.memory_space<vmem>>, %arg1: memref<768x768xf32, #tpu.memory_space<vmem>>, %arg2: memref<1x768xf32, #tpu.memory_space<vmem>>, %arg3: memref<2048x768xf32, #tpu.memory_space<vmem>>, %arg4: memref<1x768xf32, #tpu.memory_space<vmem>>, %arg5: memref<1x768xf32, #tpu.memory_space<vmem>>, %arg6: memref<768x8xf32, #tpu.memory_space<vmem>>, %arg7: memref<2048x768xf32, #tpu.memory_space<vmem>>, %arg8: memref<2048x768xbf16, #tpu.memory_space<vmem>>, %arg9: memref<2048x1xi32, #tpu.memory_space<vmem>>, %arg10: memref<2048x1xi32, #tpu.memory_space<vmem>>, %arg11: memref<2048x1xf32, #tpu.memory_space<vmem>>, %arg12: memref<2048x1xf32, #tpu.memory_space<vmem>>, %arg13: memref<24x1xi32, #tpu.memory_space<vmem>>) attributes {dimension_semantics = [], scalar_prefetch = 0 : i64, scratch_operands = 0 : i64, tpu.core_type = #tpu.core_type<tc>} {
    %get3A = arith.constant 0 : index
    %get3A_0 = arith.constant 0 : index
    %get3A_1 = arith.constant 0 : index
    %get3A_2 = vector.load %arg0[%get3A, %get3A_0, %get3A_1] : memref<12x64x2048xbf16, #tpu.memory_space<vmem>>, vector<12x64x2048xbf16>
    %reshape3A = vector.shape_cast %get3A_2 : vector<12x64x2048xbf16> to vector<768x2048xbf16>
    %get3A_3 = arith.constant 0 : index
    %get3A_4 = arith.constant 0 : index
    %get3A_5 = vector.load %arg2[%get3A_3, %get3A_4] : memref<1x768xf32, #tpu.memory_space<vmem>>, vector<1x768xf32>
    %get3A_6 = arith.constant 0 : index
    %get3A_7 = arith.constant 0 : index
    %get3A_8 = vector.load %arg1[%get3A_6, %get3A_7] : memref<768x768xf32, #tpu.memory_space<vmem>>, vector<768x768xf32>
    %convert_element_type3A = arith.truncf %get3A_8 : vector<768x768xf32> to vector<768x768xbf16>
    %dot_general3A = arith.constant dense<0.000000e+00> : vector<2048x768xf32>
    %dot_general3A_9 = tpu.matmul %reshape3A, %convert_element_type3A, %dot_general3A {dimension_numbers = #tpu.dot_dimension_numbers<[0], [1], [1], [0], [0, 1, 1, 0], [], []>, transpose_lhs_hint = false} : vector<768x2048xbf16>, vector<768x768xbf16>, vector<2048x768xf32> -> vector<2048x768xf32>
    %add3A = vector.broadcast %get3A_5 : vector<1x768xf32> to vector<2048x768xf32>
    %add3A_10 = arith.addf %add3A, %dot_general3A_9 : vector<2048x768xf32>
    %get3A_11 = arith.constant 0 : index
    %get3A_12 = arith.constant 0 : index
    %get3A_13 = vector.load %arg3[%get3A_11, %get3A_12] : memref<2048x768xf32, #tpu.memory_space<vmem>>, vector<2048x768xf32>
    %add3A_14 = arith.addf %get3A_13, %add3A_10 : vector<2048x768xf32>
    %get3A_15 = arith.constant 0 : index
    %get3A_16 = arith.constant 0 : index
    %get3A_17 = vector.load %arg4[%get3A_15, %get3A_16] : memref<1x768xf32, #tpu.memory_space<vmem>>, vector<1x768xf32>
    %get3A_18 = arith.constant 0 : index
    %get3A_19 = arith.constant 0 : index
    %get3A_20 = vector.load %arg5[%get3A_18, %get3A_19] : memref<1x768xf32, #tpu.memory_space<vmem>>, vector<1x768xf32>
    %reduce_sum3A = arith.constant dense<0.000000e+00> : vector<2048xf32>
    %reduce_sum3A_21 = vector.multi_reduction <add>, %add3A_14, %reduce_sum3A [1] : vector<2048x768xf32> to vector<2048xf32>
    %broadcast_in_dim3A = vector.shape_cast %reduce_sum3A_21 : vector<2048xf32> to vector<2048x1xf32>
    %div3A = arith.constant 7.680000e+02 : f32
    %div3A_22 = vector.broadcast %div3A : f32 to vector<2048x1xf32>
    %div3A_23 = arith.divf %broadcast_in_dim3A, %div3A_22 : vector<2048x1xf32>
    %sub3A = vector.broadcast %div3A_23 : vector<2048x1xf32> to vector<2048x768xf32>
    %sub3A_24 = arith.subf %add3A_14, %sub3A : vector<2048x768xf32>
    %integer_pow3A = arith.mulf %sub3A_24, %sub3A_24 : vector<2048x768xf32>
    %reduce_sum3A_25 = arith.constant dense<0.000000e+00> : vector<2048xf32>
    %reduce_sum3A_26 = vector.multi_reduction <add>, %integer_pow3A, %reduce_sum3A_25 [1] : vector<2048x768xf32> to vector<2048xf32>
    %broadcast_in_dim3A_27 = vector.shape_cast %reduce_sum3A_26 : vector<2048xf32> to vector<2048x1xf32>
    %div3A_28 = arith.constant 7.680000e+02 : f32
    %div3A_29 = vector.broadcast %div3A_28 : f32 to vector<2048x1xf32>
    %div3A_30 = arith.divf %broadcast_in_dim3A_27, %div3A_29 : vector<2048x1xf32>
    %sub3A_31 = vector.broadcast %div3A_23 : vector<2048x1xf32> to vector<2048x768xf32>
    %sub3A_32 = arith.subf %add3A_14, %sub3A_31 : vector<2048x768xf32>
    %add3A_33 = arith.constant 9.99999974E-6 : f32
    %add3A_34 = vector.broadcast %add3A_33 : f32 to vector<2048x1xf32>
    %add3A_35 = arith.addf %div3A_30, %add3A_34 : vector<2048x1xf32>
    %rsqrt3A = math.rsqrt %add3A_35 : vector<2048x1xf32>
    %mul3A = vector.broadcast %rsqrt3A : vector<2048x1xf32> to vector<2048x768xf32>
    %mul3A_36 = arith.mulf %sub3A_32, %mul3A : vector<2048x768xf32>
    %mul3A_37 = vector.broadcast %get3A_17 : vector<1x768xf32> to vector<2048x768xf32>
    %mul3A_38 = arith.mulf %mul3A_36, %mul3A_37 : vector<2048x768xf32>
    %add3A_39 = vector.broadcast %get3A_20 : vector<1x768xf32> to vector<2048x768xf32>
    %add3A_40 = arith.addf %mul3A_38, %add3A_39 : vector<2048x768xf32>
    %swap3A = arith.constant 0 : index
    %swap3A_41 = arith.constant 0 : index
    %swap3A_42 = vector.load %arg7[%swap3A, %swap3A_41] : memref<2048x768xf32, #tpu.memory_space<vmem>>, vector<2048x768xf32>
    tpu.vector_store %arg7[%swap3A, %swap3A_41], %add3A_40 {strides = array<i32>} : memref<2048x768xf32, #tpu.memory_space<vmem>>, vector<2048x768xf32>,
    %convert_element_type3A_43 = arith.truncf %add3A_40 : vector<2048x768xf32> to vector<2048x768xbf16>
    %swap3A_44 = arith.constant 0 : index
    %swap3A_45 = arith.constant 0 : index
    %swap3A_46 = vector.load %arg8[%swap3A_44, %swap3A_45] : memref<2048x768xbf16, #tpu.memory_space<vmem>>, vector<2048x768xbf16>
    tpu.vector_store %arg8[%swap3A_44, %swap3A_45], %convert_element_type3A_43 {strides = array<i32>} : memref<2048x768xbf16, #tpu.memory_space<vmem>>, vector<2048x768xbf16>,
    %convert_element_type3A_47 = arith.truncf %add3A_40 : vector<2048x768xf32> to vector<2048x768xbf16>
    %get3A_48 = arith.constant 0 : index
    %get3A_49 = arith.constant 0 : index
    %get3A_50 = vector.load %arg6[%get3A_48, %get3A_49] : memref<768x8xf32, #tpu.memory_space<vmem>>, vector<768x8xf32>
    %convert_element_type3A_51 = arith.truncf %get3A_50 : vector<768x8xf32> to vector<768x8xbf16>
    %dot_general3A_52 = arith.constant dense<0.000000e+00> : vector<2048x8xf32>
    %dot_general3A_53 = tpu.matmul %convert_element_type3A_47, %convert_element_type3A_51, %dot_general3A_52 {dimension_numbers = #tpu.dot_dimension_numbers<[1], [0], [0], [1], [0, 0, 1, 1], [], []>, transpose_lhs_hint = false} : vector<2048x768xbf16>, vector<768x8xbf16>, vector<2048x8xf32> -> vector<2048x8xf32>
    %reduce_max3A = arith.constant dense<0xFF800000> : vector<2048xf32>
    %reduce_max3A_54 = vector.multi_reduction <maximumf>, %dot_general3A_53, %reduce_max3A [1] : vector<2048x8xf32> to vector<2048xf32>
    %broadcast_in_dim3A_55 = vector.shape_cast %reduce_max3A_54 : vector<2048xf32> to vector<2048x1xf32>
    %sub3A_56 = vector.broadcast %broadcast_in_dim3A_55 : vector<2048x1xf32> to vector<2048x8xf32>
    %sub3A_57 = arith.subf %dot_general3A_53, %sub3A_56 : vector<2048x8xf32>
    %exp3A = math.exp %sub3A_57 : vector<2048x8xf32>
    %reduce_sum3A_58 = arith.constant dense<0.000000e+00> : vector<2048xf32>
    %reduce_sum3A_59 = vector.multi_reduction <add>, %exp3A, %reduce_sum3A_58 [1] : vector<2048x8xf32> to vector<2048xf32>
    %broadcast_in_dim3A_60 = vector.shape_cast %reduce_sum3A_59 : vector<2048xf32> to vector<2048x1xf32>
    %div3A_61 = vector.broadcast %broadcast_in_dim3A_60 : vector<2048x1xf32> to vector<2048x8xf32>
    %div3A_62 = arith.divf %exp3A, %div3A_61 : vector<2048x8xf32>
    %iota3A = tpu.iota {dimensions = array<i32: 1>} : vector<2048x8xi32>
    %reduce_max3A_63 = arith.constant dense<0xFF800000> : vector<2048xf32>
    %reduce_max3A_64 = vector.multi_reduction <maximumf>, %div3A_62, %reduce_max3A_63 [1] : vector<2048x8xf32> to vector<2048xf32>
    %broadcast_in_dim3A_65 = vector.shape_cast %reduce_max3A_64 : vector<2048xf32> to vector<2048x1xf32>
    %eq3A = vector.broadcast %broadcast_in_dim3A_65 : vector<2048x1xf32> to vector<2048x8xf32>
    %eq3A_66 = arith.cmpf oeq, %div3A_62, %eq3A : vector<2048x8xf32>
    %jit3A = arith.constant 8 : i32
    %broadcast_in_dim3A_67 = vector.broadcast %jit3A : i32 to vector<2048x8xi32>
    %select_n3A = arith.select %eq3A_66, %iota3A, %broadcast_in_dim3A_67 : vector<2048x8xi1>, vector<2048x8xi32>
    %reduce_min3A = arith.constant dense<2147483647> : vector<2048xi32>
    %reduce_min3A_68 = vector.multi_reduction <minsi>, %select_n3A, %reduce_min3A [1] : vector<2048x8xi32> to vector<2048xi32>
    %broadcast_in_dim3A_69 = vector.shape_cast %reduce_min3A_68 : vector<2048xi32> to vector<2048x1xi32>
    %eq3A_70 = vector.broadcast %broadcast_in_dim3A_69 : vector<2048x1xi32> to vector<2048x8xi32>
    %eq3A_71 = arith.cmpi eq, %iota3A, %eq3A_70 : vector<2048x8xi32>
    %jit3A_72 = arith.constant 0xFF800000 : f32
    %broadcast_in_dim3A_73 = vector.broadcast %jit3A_72 : f32 to vector<2048x8xf32>
    %select_n3A_74 = arith.select %eq3A_71, %broadcast_in_dim3A_73, %div3A_62 : vector<2048x8xi1>, vector<2048x8xf32>
    %reduce_max3A_75 = arith.constant dense<0xFF800000> : vector<2048xf32>
    %reduce_max3A_76 = vector.multi_reduction <maximumf>, %select_n3A_74, %reduce_max3A_75 [1] : vector<2048x8xf32> to vector<2048xf32>
    %broadcast_in_dim3A_77 = vector.shape_cast %reduce_max3A_76 : vector<2048xf32> to vector<2048x1xf32>
    %eq3A_78 = vector.broadcast %broadcast_in_dim3A_77 : vector<2048x1xf32> to vector<2048x8xf32>
    %eq3A_79 = arith.cmpf oeq, %select_n3A_74, %eq3A_78 : vector<2048x8xf32>
    %jit3A_80 = arith.constant 8 : i32
    %broadcast_in_dim3A_81 = vector.broadcast %jit3A_80 : i32 to vector<2048x8xi32>
    %select_n3A_82 = arith.select %eq3A_79, %iota3A, %broadcast_in_dim3A_81 : vector<2048x8xi1>, vector<2048x8xi32>
    %reduce_min3A_83 = arith.constant dense<2147483647> : vector<2048xi32>
    %reduce_min3A_84 = vector.multi_reduction <minsi>, %select_n3A_82, %reduce_min3A_83 [1] : vector<2048x8xi32> to vector<2048xi32>
    %broadcast_in_dim3A_85 = vector.shape_cast %reduce_min3A_84 : vector<2048xi32> to vector<2048x1xi32>
    %eq3A_86 = vector.broadcast %broadcast_in_dim3A_85 : vector<2048x1xi32> to vector<2048x8xi32>
    %eq3A_87 = arith.cmpi eq, %iota3A, %eq3A_86 : vector<2048x8xi32>
    %add3A_88 = arith.addf %broadcast_in_dim3A_65, %broadcast_in_dim3A_77 : vector<2048x1xf32>
    %add3A_89 = arith.constant 9.99999971E-10 : f32
    %add3A_90 = vector.broadcast %add3A_89 : f32 to vector<2048x1xf32>
    %add3A_91 = arith.addf %add3A_88, %add3A_90 : vector<2048x1xf32>
    %div3A_92 = arith.divf %broadcast_in_dim3A_65, %add3A_91 : vector<2048x1xf32>
    %swap3A_93 = arith.constant 0 : index
    %swap3A_94 = arith.constant 0 : index
    %swap3A_95 = vector.load %arg11[%swap3A_93, %swap3A_94] : memref<2048x1xf32, #tpu.memory_space<vmem>>, vector<2048x1xf32>
    tpu.vector_store %arg11[%swap3A_93, %swap3A_94], %div3A_92 {strides = array<i32>} : memref<2048x1xf32, #tpu.memory_space<vmem>>, vector<2048x1xf32>,
    %div3A_96 = arith.divf %broadcast_in_dim3A_77, %add3A_91 : vector<2048x1xf32>
    %swap3A_97 = arith.constant 0 : index
    %swap3A_98 = arith.constant 0 : index
    %swap3A_99 = vector.load %arg12[%swap3A_97, %swap3A_98] : memref<2048x1xf32, #tpu.memory_space<vmem>>, vector<2048x1xf32>
    tpu.vector_store %arg12[%swap3A_97, %swap3A_98], %div3A_96 {strides = array<i32>} : memref<2048x1xf32, #tpu.memory_space<vmem>>, vector<2048x1xf32>,
    %convert_element_type3A_100 = arith.extui %eq3A_71 : vector<2048x8xi1> to vector<2048x8xi32>
    %broadcast_in_dim3A_101 = arith.constant 0 : i32
    %broadcast_in_dim3A_102 = vector.broadcast %broadcast_in_dim3A_101 : i32 to vector<1x8xi32>
    %slice3A = vector.extract_strided_slice %convert_element_type3A_100 {offsets = [0, 0], sizes = [2047, 8], strides = [1, 1]} : vector<2048x8xi32> to vector<2047x8xi32>
    %concatenate3A = tpu.concatenate %broadcast_in_dim3A_102, %slice3A in 0 : vector<1x8xi32>, vector<2047x8xi32> -> vector<2048x8xi32>
    %add3A_103 = arith.addi %convert_element_type3A_100, %concatenate3A : vector<2048x8xi32>
    %broadcast_in_dim3A_104 = arith.constant 0 : i32
    %broadcast_in_dim3A_105 = vector.broadcast %broadcast_in_dim3A_104 : i32 to vector<2x8xi32>
    %slice3A_106 = vector.extract_strided_slice %add3A_103 {offsets = [0, 0], sizes = [2046, 8], strides = [1, 1]} : vector<2048x8xi32> to vector<2046x8xi32>
    %concatenate3A_107 = tpu.concatenate %broadcast_in_dim3A_105, %slice3A_106 in 0 : vector<2x8xi32>, vector<2046x8xi32> -> vector<2048x8xi32>
    %add3A_108 = arith.addi %add3A_103, %concatenate3A_107 : vector<2048x8xi32>
    %broadcast_in_dim3A_109 = arith.constant 0 : i32
    %broadcast_in_dim3A_110 = vector.broadcast %broadcast_in_dim3A_109 : i32 to vector<4x8xi32>
    %slice3A_111 = vector.extract_strided_slice %add3A_108 {offsets = [0, 0], sizes = [2044, 8], strides = [1, 1]} : vector<2048x8xi32> to vector<2044x8xi32>
    %concatenate3A_112 = tpu.concatenate %broadcast_in_dim3A_110, %slice3A_111 in 0 : vector<4x8xi32>, vector<2044x8xi32> -> vector<2048x8xi32>
    %add3A_113 = arith.addi %add3A_108, %concatenate3A_112 : vector<2048x8xi32>
    %broadcast_in_dim3A_114 = arith.constant 0 : i32
    %broadcast_in_dim3A_115 = vector.broadcast %broadcast_in_dim3A_114 : i32 to vector<8x8xi32>
    %slice3A_116 = vector.extract_strided_slice %add3A_113 {offsets = [0, 0], sizes = [2040, 8], strides = [1, 1]} : vector<2048x8xi32> to vector<2040x8xi32>
    %concatenate3A_117 = tpu.concatenate %broadcast_in_dim3A_115, %slice3A_116 in 0 : vector<8x8xi32>, vector<2040x8xi32> -> vector<2048x8xi32>
    %add3A_118 = arith.addi %add3A_113, %concatenate3A_117 : vector<2048x8xi32>
    %broadcast_in_dim3A_119 = arith.constant 0 : i32
    %broadcast_in_dim3A_120 = vector.broadcast %broadcast_in_dim3A_119 : i32 to vector<16x8xi32>
    %slice3A_121 = vector.extract_strided_slice %add3A_118 {offsets = [0, 0], sizes = [2032, 8], strides = [1, 1]} : vector<2048x8xi32> to vector<2032x8xi32>
    %concatenate3A_122 = tpu.concatenate %broadcast_in_dim3A_120, %slice3A_121 in 0 : vector<16x8xi32>, vector<2032x8xi32> -> vector<2048x8xi32>
    %add3A_123 = arith.addi %add3A_118, %concatenate3A_122 : vector<2048x8xi32>
    %broadcast_in_dim3A_124 = arith.constant 0 : i32
    %broadcast_in_dim3A_125 = vector.broadcast %broadcast_in_dim3A_124 : i32 to vector<32x8xi32>
    %slice3A_126 = vector.extract_strided_slice %add3A_123 {offsets = [0, 0], sizes = [2016, 8], strides = [1, 1]} : vector<2048x8xi32> to vector<2016x8xi32>
    %concatenate3A_127 = tpu.concatenate %broadcast_in_dim3A_125, %slice3A_126 in 0 : vector<32x8xi32>, vector<2016x8xi32> -> vector<2048x8xi32>
    %add3A_128 = arith.addi %add3A_123, %concatenate3A_127 : vector<2048x8xi32>
    %broadcast_in_dim3A_129 = arith.constant 0 : i32
    %broadcast_in_dim3A_130 = vector.broadcast %broadcast_in_dim3A_129 : i32 to vector<64x8xi32>
    %slice3A_131 = vector.extract_strided_slice %add3A_128 {offsets = [0, 0], sizes = [1984, 8], strides = [1, 1]} : vector<2048x8xi32> to vector<1984x8xi32>
    %concatenate3A_132 = tpu.concatenate %broadcast_in_dim3A_130, %slice3A_131 in 0 : vector<64x8xi32>, vector<1984x8xi32> -> vector<2048x8xi32>
    %add3A_133 = arith.addi %add3A_128, %concatenate3A_132 : vector<2048x8xi32>
    %broadcast_in_dim3A_134 = arith.constant 0 : i32
    %broadcast_in_dim3A_135 = vector.broadcast %broadcast_in_dim3A_134 : i32 to vector<128x8xi32>
    %slice3A_136 = vector.extract_strided_slice %add3A_133 {offsets = [0, 0], sizes = [1920, 8], strides = [1, 1]} : vector<2048x8xi32> to vector<1920x8xi32>
    %concatenate3A_137 = tpu.concatenate %broadcast_in_dim3A_135, %slice3A_136 in 0 : vector<128x8xi32>, vector<1920x8xi32> -> vector<2048x8xi32>
    %add3A_138 = arith.addi %add3A_133, %concatenate3A_137 : vector<2048x8xi32>
    %broadcast_in_dim3A_139 = arith.constant 0 : i32
    %broadcast_in_dim3A_140 = vector.broadcast %broadcast_in_dim3A_139 : i32 to vector<256x8xi32>
    %slice3A_141 = vector.extract_strided_slice %add3A_138 {offsets = [0, 0], sizes = [1792, 8], strides = [1, 1]} : vector<2048x8xi32> to vector<1792x8xi32>
    %concatenate3A_142 = tpu.concatenate %broadcast_in_dim3A_140, %slice3A_141 in 0 : vector<256x8xi32>, vector<1792x8xi32> -> vector<2048x8xi32>
    %add3A_143 = arith.addi %add3A_138, %concatenate3A_142 : vector<2048x8xi32>
    %broadcast_in_dim3A_144 = arith.constant 0 : i32
    %broadcast_in_dim3A_145 = vector.broadcast %broadcast_in_dim3A_144 : i32 to vector<512x8xi32>
    %slice3A_146 = vector.extract_strided_slice %add3A_143 {offsets = [0, 0], sizes = [1536, 8], strides = [1, 1]} : vector<2048x8xi32> to vector<1536x8xi32>
    %concatenate3A_147 = tpu.concatenate %broadcast_in_dim3A_145, %slice3A_146 in 0 : vector<512x8xi32>, vector<1536x8xi32> -> vector<2048x8xi32>
    %add3A_148 = arith.addi %add3A_143, %concatenate3A_147 : vector<2048x8xi32>
    %broadcast_in_dim3A_149 = arith.constant 0 : i32
    %broadcast_in_dim3A_150 = vector.broadcast %broadcast_in_dim3A_149 : i32 to vector<1024x8xi32>
    %slice3A_151 = vector.extract_strided_slice %add3A_148 {offsets = [0, 0], sizes = [1024, 8], strides = [1, 1]} : vector<2048x8xi32> to vector<1024x8xi32>
    %concatenate3A_152 = tpu.concatenate %broadcast_in_dim3A_150, %slice3A_151 in 0 : vector<1024x8xi32>, vector<1024x8xi32> -> vector<2048x8xi32>
    %add3A_153 = arith.addi %add3A_148, %concatenate3A_152 : vector<2048x8xi32>
    %convert_element_type3A_154 = arith.extui %eq3A_87 : vector<2048x8xi1> to vector<2048x8xi32>
    %broadcast_in_dim3A_155 = arith.constant 0 : i32
    %broadcast_in_dim3A_156 = vector.broadcast %broadcast_in_dim3A_155 : i32 to vector<1x8xi32>
    %slice3A_157 = vector.extract_strided_slice %convert_element_type3A_154 {offsets = [0, 0], sizes = [2047, 8], strides = [1, 1]} : vector<2048x8xi32> to vector<2047x8xi32>
    %concatenate3A_158 = tpu.concatenate %broadcast_in_dim3A_156, %slice3A_157 in 0 : vector<1x8xi32>, vector<2047x8xi32> -> vector<2048x8xi32>
    %add3A_159 = arith.addi %convert_element_type3A_154, %concatenate3A_158 : vector<2048x8xi32>
    %broadcast_in_dim3A_160 = arith.constant 0 : i32
    %broadcast_in_dim3A_161 = vector.broadcast %broadcast_in_dim3A_160 : i32 to vector<2x8xi32>
    %slice3A_162 = vector.extract_strided_slice %add3A_159 {offsets = [0, 0], sizes = [2046, 8], strides = [1, 1]} : vector<2048x8xi32> to vector<2046x8xi32>
    %concatenate3A_163 = tpu.concatenate %broadcast_in_dim3A_161, %slice3A_162 in 0 : vector<2x8xi32>, vector<2046x8xi32> -> vector<2048x8xi32>
    %add3A_164 = arith.addi %add3A_159, %concatenate3A_163 : vector<2048x8xi32>
    %broadcast_in_dim3A_165 = arith.constant 0 : i32
    %broadcast_in_dim3A_166 = vector.broadcast %broadcast_in_dim3A_165 : i32 to vector<4x8xi32>
    %slice3A_167 = vector.extract_strided_slice %add3A_164 {offsets = [0, 0], sizes = [2044, 8], strides = [1, 1]} : vector<2048x8xi32> to vector<2044x8xi32>
    %concatenate3A_168 = tpu.concatenate %broadcast_in_dim3A_166, %slice3A_167 in 0 : vector<4x8xi32>, vector<2044x8xi32> -> vector<2048x8xi32>
    %add3A_169 = arith.addi %add3A_164, %concatenate3A_168 : vector<2048x8xi32>
    %broadcast_in_dim3A_170 = arith.constant 0 : i32
    %broadcast_in_dim3A_171 = vector.broadcast %broadcast_in_dim3A_170 : i32 to vector<8x8xi32>
    %slice3A_172 = vector.extract_strided_slice %add3A_169 {offsets = [0, 0], sizes = [2040, 8], strides = [1, 1]} : vector<2048x8xi32> to vector<2040x8xi32>
    %concatenate3A_173 = tpu.concatenate %broadcast_in_dim3A_171, %slice3A_172 in 0 : vector<8x8xi32>, vector<2040x8xi32> -> vector<2048x8xi32>
    %add3A_174 = arith.addi %add3A_169, %concatenate3A_173 : vector<2048x8xi32>
    %broadcast_in_dim3A_175 = arith.constant 0 : i32
    %broadcast_in_dim3A_176 = vector.broadcast %broadcast_in_dim3A_175 : i32 to vector<16x8xi32>
    %slice3A_177 = vector.extract_strided_slice %add3A_174 {offsets = [0, 0], sizes = [2032, 8], strides = [1, 1]} : vector<2048x8xi32> to vector<2032x8xi32>
    %concatenate3A_178 = tpu.concatenate %broadcast_in_dim3A_176, %slice3A_177 in 0 : vector<16x8xi32>, vector<2032x8xi32> -> vector<2048x8xi32>
    %add3A_179 = arith.addi %add3A_174, %concatenate3A_178 : vector<2048x8xi32>
    %broadcast_in_dim3A_180 = arith.constant 0 : i32
    %broadcast_in_dim3A_181 = vector.broadcast %broadcast_in_dim3A_180 : i32 to vector<32x8xi32>
    %slice3A_182 = vector.extract_strided_slice %add3A_179 {offsets = [0, 0], sizes = [2016, 8], strides = [1, 1]} : vector<2048x8xi32> to vector<2016x8xi32>
    %concatenate3A_183 = tpu.concatenate %broadcast_in_dim3A_181, %slice3A_182 in 0 : vector<32x8xi32>, vector<2016x8xi32> -> vector<2048x8xi32>
    %add3A_184 = arith.addi %add3A_179, %concatenate3A_183 : vector<2048x8xi32>
    %broadcast_in_dim3A_185 = arith.constant 0 : i32
    %broadcast_in_dim3A_186 = vector.broadcast %broadcast_in_dim3A_185 : i32 to vector<64x8xi32>
    %slice3A_187 = vector.extract_strided_slice %add3A_184 {offsets = [0, 0], sizes = [1984, 8], strides = [1, 1]} : vector<2048x8xi32> to vector<1984x8xi32>
    %concatenate3A_188 = tpu.concatenate %broadcast_in_dim3A_186, %slice3A_187 in 0 : vector<64x8xi32>, vector<1984x8xi32> -> vector<2048x8xi32>
    %add3A_189 = arith.addi %add3A_184, %concatenate3A_188 : vector<2048x8xi32>
    %broadcast_in_dim3A_190 = arith.constant 0 : i32
    %broadcast_in_dim3A_191 = vector.broadcast %broadcast_in_dim3A_190 : i32 to vector<128x8xi32>
    %slice3A_192 = vector.extract_strided_slice %add3A_189 {offsets = [0, 0], sizes = [1920, 8], strides = [1, 1]} : vector<2048x8xi32> to vector<1920x8xi32>
    %concatenate3A_193 = tpu.concatenate %broadcast_in_dim3A_191, %slice3A_192 in 0 : vector<128x8xi32>, vector<1920x8xi32> -> vector<2048x8xi32>
    %add3A_194 = arith.addi %add3A_189, %concatenate3A_193 : vector<2048x8xi32>
    %broadcast_in_dim3A_195 = arith.constant 0 : i32
    %broadcast_in_dim3A_196 = vector.broadcast %broadcast_in_dim3A_195 : i32 to vector<256x8xi32>
    %slice3A_197 = vector.extract_strided_slice %add3A_194 {offsets = [0, 0], sizes = [1792, 8], strides = [1, 1]} : vector<2048x8xi32> to vector<1792x8xi32>
    %concatenate3A_198 = tpu.concatenate %broadcast_in_dim3A_196, %slice3A_197 in 0 : vector<256x8xi32>, vector<1792x8xi32> -> vector<2048x8xi32>
    %add3A_199 = arith.addi %add3A_194, %concatenate3A_198 : vector<2048x8xi32>
    %broadcast_in_dim3A_200 = arith.constant 0 : i32
    %broadcast_in_dim3A_201 = vector.broadcast %broadcast_in_dim3A_200 : i32 to vector<512x8xi32>
    %slice3A_202 = vector.extract_strided_slice %add3A_199 {offsets = [0, 0], sizes = [1536, 8], strides = [1, 1]} : vector<2048x8xi32> to vector<1536x8xi32>
    %concatenate3A_203 = tpu.concatenate %broadcast_in_dim3A_201, %slice3A_202 in 0 : vector<512x8xi32>, vector<1536x8xi32> -> vector<2048x8xi32>
    %add3A_204 = arith.addi %add3A_199, %concatenate3A_203 : vector<2048x8xi32>
    %broadcast_in_dim3A_205 = arith.constant 0 : i32
    %broadcast_in_dim3A_206 = vector.broadcast %broadcast_in_dim3A_205 : i32 to vector<1024x8xi32>
    %slice3A_207 = vector.extract_strided_slice %add3A_204 {offsets = [0, 0], sizes = [1024, 8], strides = [1, 1]} : vector<2048x8xi32> to vector<1024x8xi32>
    %concatenate3A_208 = tpu.concatenate %broadcast_in_dim3A_206, %slice3A_207 in 0 : vector<1024x8xi32>, vector<1024x8xi32> -> vector<2048x8xi32>
    %add3A_209 = arith.addi %add3A_204, %concatenate3A_208 : vector<2048x8xi32>
    %slice3A_210 = vector.extract_strided_slice %add3A_153 {offsets = [2047, 0], sizes = [1, 8], strides = [1, 1]} : vector<2048x8xi32> to vector<1x8xi32>
    %slice3A_211 = vector.extract_strided_slice %add3A_209 {offsets = [2047, 0], sizes = [1, 8], strides = [1, 1]} : vector<2048x8xi32> to vector<1x8xi32>
    %add3A_212 = arith.addi %slice3A_210, %slice3A_211 : vector<1x8xi32>
    %add3A_213 = arith.constant 255 : i32
    %add3A_214 = vector.broadcast %add3A_213 : i32 to vector<1x8xi32>
    %add3A_215 = arith.addi %add3A_212, %add3A_214 : vector<1x8xi32>
    %jit3A_216 = arith.constant 256 : i32
    %div3A_217 = vector.broadcast %jit3A_216 : i32 to vector<1x8xi32>
    %div3A_218 = arith.divsi %add3A_215, %div3A_217 : vector<1x8xi32>
    %sign3A = arith.constant 0 : i32
    %sign3A_219 = vector.broadcast %sign3A : i32 to vector<1x8xi32>
    %sign3A_220 = arith.cmpi sgt, %add3A_215, %sign3A_219 : vector<1x8xi32>
    %sign3A_221 = arith.extui %sign3A_220 : vector<1x8xi1> to vector<1x8xi32>
    %sign3A_222 = arith.constant 0 : i32
    %sign3A_223 = vector.broadcast %sign3A_222 : i32 to vector<1x8xi32>
    %sign3A_224 = arith.cmpi slt, %add3A_215, %sign3A_223 : vector<1x8xi32>
    %sign3A_225 = arith.extui %sign3A_224 : vector<1x8xi1> to vector<1x8xi32>
    %sign3A_226 = arith.subi %sign3A_221, %sign3A_225 : vector<1x8xi32>
    %sign3A_227 = arith.constant 0 : i32
    %sign3A_228 = arith.cmpi sgt, %jit3A_216, %sign3A_227 : i32
    %sign3A_229 = arith.extui %sign3A_228 : i1 to i32
    %sign3A_230 = arith.constant 0 : i32
    %sign3A_231 = arith.cmpi slt, %jit3A_216, %sign3A_230 : i32
    %sign3A_232 = arith.extui %sign3A_231 : i1 to i32
    %sign3A_233 = arith.subi %sign3A_229, %sign3A_232 : i32
    %ne3A = vector.broadcast %sign3A_233 : i32 to vector<1x8xi32>
    %ne3A_234 = arith.cmpi ne, %sign3A_226, %ne3A : vector<1x8xi32>
    %rem3A = vector.broadcast %jit3A_216 : i32 to vector<1x8xi32>
    %rem3A_235 = arith.remsi %add3A_215, %rem3A : vector<1x8xi32>
    %ne3A_236 = arith.constant 0 : i32
    %ne3A_237 = vector.broadcast %ne3A_236 : i32 to vector<1x8xi32>
    %ne3A_238 = arith.cmpi ne, %rem3A_235, %ne3A_237 : vector<1x8xi32>
    %and3A = arith.andi %ne3A_234, %ne3A_238 : vector<1x8xi1>
    %sub3A_239 = arith.constant 1 : i32
    %sub3A_240 = vector.broadcast %sub3A_239 : i32 to vector<1x8xi32>
    %sub3A_241 = arith.subi %div3A_218, %sub3A_240 : vector<1x8xi32>
    %select_n3A_242 = arith.select %and3A, %sub3A_241, %div3A_218 : vector<1x8xi1>, vector<1x8xi32>
    %mul3A_243 = arith.constant 256 : i32
    %mul3A_244 = vector.broadcast %mul3A_243 : i32 to vector<1x8xi32>
    %mul3A_245 = arith.muli %select_n3A_242, %mul3A_244 : vector<1x8xi32>
    %broadcast_in_dim3A_246 = arith.constant 0 : i32
    %broadcast_in_dim3A_247 = vector.broadcast %broadcast_in_dim3A_246 : i32 to vector<1x1xi32>
    %slice3A_248 = vector.extract_strided_slice %mul3A_245 {offsets = [0, 0], sizes = [1, 7], strides = [1, 1]} : vector<1x8xi32> to vector<1x7xi32>
    %concatenate3A_249 = tpu.concatenate %broadcast_in_dim3A_247, %slice3A_248 in 1 : vector<1x1xi32>, vector<1x7xi32> -> vector<1x8xi32>
    %add3A_250 = arith.addi %mul3A_245, %concatenate3A_249 : vector<1x8xi32>
    %broadcast_in_dim3A_251 = arith.constant 0 : i32
    %broadcast_in_dim3A_252 = vector.broadcast %broadcast_in_dim3A_251 : i32 to vector<1x2xi32>
    %slice3A_253 = vector.extract_strided_slice %add3A_250 {offsets = [0, 0], sizes = [1, 6], strides = [1, 1]} : vector<1x8xi32> to vector<1x6xi32>
    %concatenate3A_254 = tpu.concatenate %broadcast_in_dim3A_252, %slice3A_253 in 1 : vector<1x2xi32>, vector<1x6xi32> -> vector<1x8xi32>
    %add3A_255 = arith.addi %add3A_250, %concatenate3A_254 : vector<1x8xi32>
    %broadcast_in_dim3A_256 = arith.constant 0 : i32
    %broadcast_in_dim3A_257 = vector.broadcast %broadcast_in_dim3A_256 : i32 to vector<1x4xi32>
    %slice3A_258 = vector.extract_strided_slice %add3A_255 {offsets = [0, 0], sizes = [1, 4], strides = [1, 1]} : vector<1x8xi32> to vector<1x4xi32>
    %concatenate3A_259 = tpu.concatenate %broadcast_in_dim3A_257, %slice3A_258 in 1 : vector<1x4xi32>, vector<1x4xi32> -> vector<1x8xi32>
    %add3A_260 = arith.addi %add3A_255, %concatenate3A_259 : vector<1x8xi32>
    %sub3A_261 = arith.subi %add3A_260, %mul3A_245 : vector<1x8xi32>
    %convert_element_type3A_262 = arith.extui %eq3A_71 : vector<2048x8xi1> to vector<2048x8xi32>
    %convert_element_type3A_263 = arith.extui %eq3A_87 : vector<2048x8xi1> to vector<2048x8xi32>
    %add3A_264 = vector.broadcast %sub3A_261 : vector<1x8xi32> to vector<2048x8xi32>
    %add3A_265 = arith.addi %add3A_264, %add3A_153 : vector<2048x8xi32>
    %sub3A_266 = arith.constant 1 : i32
    %sub3A_267 = vector.broadcast %sub3A_266 : i32 to vector<2048x8xi32>
    %sub3A_268 = arith.subi %add3A_265, %sub3A_267 : vector<2048x8xi32>
    %mul3A_269 = arith.muli %convert_element_type3A_262, %sub3A_268 : vector<2048x8xi32>
    %reduce_sum3A_270 = arith.constant dense<0> : vector<2048xi32>
    %reduce_sum3A_271 = vector.multi_reduction <add>, %mul3A_269, %reduce_sum3A_270 [1] : vector<2048x8xi32> to vector<2048xi32>
    %broadcast_in_dim3A_272 = vector.shape_cast %reduce_sum3A_271 : vector<2048xi32> to vector<2048x1xi32>
    %swap3A_273 = arith.constant 0 : index
    %swap3A_274 = arith.constant 0 : index
    %swap3A_275 = vector.load %arg9[%swap3A_273, %swap3A_274] : memref<2048x1xi32, #tpu.memory_space<vmem>>, vector<2048x1xi32>
    tpu.vector_store %arg9[%swap3A_273, %swap3A_274], %broadcast_in_dim3A_272 {strides = array<i32>} : memref<2048x1xi32, #tpu.memory_space<vmem>>, vector<2048x1xi32>,
    %add3A_276 = arith.addi %sub3A_261, %slice3A_210 : vector<1x8xi32>
    %add3A_277 = vector.broadcast %add3A_276 : vector<1x8xi32> to vector<2048x8xi32>
    %add3A_278 = arith.addi %add3A_277, %add3A_209 : vector<2048x8xi32>
    %sub3A_279 = arith.constant 1 : i32
    %sub3A_280 = vector.broadcast %sub3A_279 : i32 to vector<2048x8xi32>
    %sub3A_281 = arith.subi %add3A_278, %sub3A_280 : vector<2048x8xi32>
    %mul3A_282 = arith.muli %convert_element_type3A_263, %sub3A_281 : vector<2048x8xi32>
    %reduce_sum3A_283 = arith.constant dense<0> : vector<2048xi32>
    %reduce_sum3A_284 = vector.multi_reduction <add>, %mul3A_282, %reduce_sum3A_283 [1] : vector<2048x8xi32> to vector<2048xi32>
    %broadcast_in_dim3A_285 = vector.shape_cast %reduce_sum3A_284 : vector<2048xi32> to vector<2048x1xi32>
    %swap3A_286 = arith.constant 0 : index
    %swap3A_287 = arith.constant 0 : index
    %swap3A_288 = vector.load %arg10[%swap3A_286, %swap3A_287] : memref<2048x1xi32, #tpu.memory_space<vmem>>, vector<2048x1xi32>
    tpu.vector_store %arg10[%swap3A_286, %swap3A_287], %broadcast_in_dim3A_285 {strides = array<i32>} : memref<2048x1xi32, #tpu.memory_space<vmem>>, vector<2048x1xi32>,
    %jit3A_289 = arith.constant 256 : i32
    %div3A_290 = vector.broadcast %jit3A_289 : i32 to vector<1x8xi32>
    %div3A_291 = arith.divsi %sub3A_261, %div3A_290 : vector<1x8xi32>
    %sign3A_292 = arith.constant 0 : i32
    %sign3A_293 = vector.broadcast %sign3A_292 : i32 to vector<1x8xi32>
    %sign3A_294 = arith.cmpi sgt, %sub3A_261, %sign3A_293 : vector<1x8xi32>
    %sign3A_295 = arith.extui %sign3A_294 : vector<1x8xi1> to vector<1x8xi32>
    %sign3A_296 = arith.constant 0 : i32
    %sign3A_297 = vector.broadcast %sign3A_296 : i32 to vector<1x8xi32>
    %sign3A_298 = arith.cmpi slt, %sub3A_261, %sign3A_297 : vector<1x8xi32>
    %sign3A_299 = arith.extui %sign3A_298 : vector<1x8xi1> to vector<1x8xi32>
    %sign3A_300 = arith.subi %sign3A_295, %sign3A_299 : vector<1x8xi32>
    %sign3A_301 = arith.constant 0 : i32
    %sign3A_302 = arith.cmpi sgt, %jit3A_289, %sign3A_301 : i32
    %sign3A_303 = arith.extui %sign3A_302 : i1 to i32
    %sign3A_304 = arith.constant 0 : i32
    %sign3A_305 = arith.cmpi slt, %jit3A_289, %sign3A_304 : i32
    %sign3A_306 = arith.extui %sign3A_305 : i1 to i32
    %sign3A_307 = arith.subi %sign3A_303, %sign3A_306 : i32
    %ne3A_308 = vector.broadcast %sign3A_307 : i32 to vector<1x8xi32>
    %ne3A_309 = arith.cmpi ne, %sign3A_300, %ne3A_308 : vector<1x8xi32>
    %rem3A_310 = vector.broadcast %jit3A_289 : i32 to vector<1x8xi32>
    %rem3A_311 = arith.remsi %sub3A_261, %rem3A_310 : vector<1x8xi32>
    %ne3A_312 = arith.constant 0 : i32
    %ne3A_313 = vector.broadcast %ne3A_312 : i32 to vector<1x8xi32>
    %ne3A_314 = arith.cmpi ne, %rem3A_311, %ne3A_313 : vector<1x8xi32>
    %and3A_315 = arith.andi %ne3A_309, %ne3A_314 : vector<1x8xi1>
    %sub3A_316 = arith.constant 1 : i32
    %sub3A_317 = vector.broadcast %sub3A_316 : i32 to vector<1x8xi32>
    %sub3A_318 = arith.subi %div3A_291, %sub3A_317 : vector<1x8xi32>
    %select_n3A_319 = arith.select %and3A_315, %sub3A_318, %div3A_291 : vector<1x8xi1>, vector<1x8xi32>
    %iota3A_320 = tpu.iota {dimensions = array<i32: 0>} : vector<24x8xi32>
    %ge3A = vector.broadcast %select_n3A_319 : vector<1x8xi32> to vector<24x8xi32>
    %ge3A_321 = arith.cmpi sge, %iota3A_320, %ge3A : vector<24x8xi32>
    %convert_element_type3A_322 = arith.extui %ge3A_321 : vector<24x8xi1> to vector<24x8xi32>
    %reduce_sum3A_323 = arith.constant dense<0> : vector<24xi32>
    %reduce_sum3A_324 = vector.multi_reduction <add>, %convert_element_type3A_322, %reduce_sum3A_323 [1] : vector<24x8xi32> to vector<24xi32>
    %broadcast_in_dim3A_325 = vector.shape_cast %reduce_sum3A_324 : vector<24xi32> to vector<24x1xi32>
    %sub3A_326 = arith.constant 1 : i32
    %sub3A_327 = vector.broadcast %sub3A_326 : i32 to vector<24x1xi32>
    %sub3A_328 = arith.subi %broadcast_in_dim3A_325, %sub3A_327 : vector<24x1xi32>
    %min3A = arith.constant 7 : i32
    %min3A_329 = vector.broadcast %min3A : i32 to vector<24x1xi32>
    %min3A_330 = arith.minsi %sub3A_328, %min3A_329 : vector<24x1xi32>
    %swap3A_331 = arith.constant 0 : index
    %swap3A_332 = arith.constant 0 : index
    %swap3A_333 = vector.load %arg13[%swap3A_331, %swap3A_332] : memref<24x1xi32, #tpu.memory_space<vmem>>, vector<24x1xi32>
    tpu.vector_store %arg13[%swap3A_331, %swap3A_332], %min3A_330 {strides = array<i32>} : memref<24x1xi32, #tpu.memory_space<vmem>>, vector<24x1xi32>,
    return
  }
}

module attributes {stable_mosaic.version = 14 : i64} {
  func.func @_ffn_body(%arg0: i32, %arg1: memref<24xi32, #tpu.memory_space<smem>>, %arg2: memref<256x768xbf16, #tpu.memory_space<vmem>>, %arg3: memref<1x768x1024xf32, #tpu.memory_space<vmem>>, %arg4: memref<1x1024x768xf32, #tpu.memory_space<vmem>>, %arg5: memref<256x768xbf16, #tpu.memory_space<vmem>>) attributes {dimension_semantics = [#tpu.dimension_semantics<arbitrary>], iteration_bounds = array<i64: 24>, scalar_prefetch = 1 : i64, scratch_operands = 0 : i64, tpu.core_type = #tpu.core_type<tc>, window_params = [{transform_indices = @transform_0, window_bounds = array<i64: 256, 768>}, {transform_indices = @transform_1, window_bounds = array<i64: 1, 768, 1024>}, {transform_indices = @transform_2, window_bounds = array<i64: 1, 1024, 768>}, {transform_indices = @transform_3, window_bounds = array<i64: 256, 768>}]} {
    %get3A = arith.constant 0 : index
    %get3A_0 = arith.constant 0 : index
    %get3A_1 = vector.load %arg2[%get3A, %get3A_0] : memref<256x768xbf16, #tpu.memory_space<vmem>>, vector<256x768xbf16>
    %get3A_2 = arith.constant 0 : index
    %get3A_3 = arith.constant 0 : index
    %get3A_4 = arith.constant 0 : index
    %get3A_5 = vector.load %arg3[%get3A_2, %get3A_3, %get3A_4] : memref<1x768x1024xf32, #tpu.memory_space<vmem>>, vector<1x768x1024xf32>
    %get3A_6 = vector.shape_cast %get3A_5 : vector<1x768x1024xf32> to vector<768x1024xf32>
    %convert_element_type3A = arith.truncf %get3A_6 : vector<768x1024xf32> to vector<768x1024xbf16>
    %dot_general3A = arith.constant dense<0.000000e+00> : vector<256x1024xf32>
    %dot_general3A_7 = tpu.matmul %get3A_1, %convert_element_type3A, %dot_general3A {dimension_numbers = #tpu.dot_dimension_numbers<[1], [0], [0], [1], [0, 0, 1, 1], [], []>, transpose_lhs_hint = false} : vector<256x768xbf16>, vector<768x1024xbf16>, vector<256x1024xf32> -> vector<256x1024xf32>
    %integer_pow3A = arith.mulf %dot_general3A_7, %dot_general3A_7 : vector<256x1024xf32>
    %integer_pow3A_8 = arith.mulf %dot_general3A_7, %integer_pow3A : vector<256x1024xf32>
    %mul3A = arith.constant 4.471500e-02 : f32
    %mul3A_9 = vector.broadcast %mul3A : f32 to vector<256x1024xf32>
    %mul3A_10 = arith.mulf %mul3A_9, %integer_pow3A_8 : vector<256x1024xf32>
    %add3A = arith.addf %dot_general3A_7, %mul3A_10 : vector<256x1024xf32>
    %mul3A_11 = arith.constant 0.797884583 : f32
    %mul3A_12 = vector.broadcast %mul3A_11 : f32 to vector<256x1024xf32>
    %mul3A_13 = arith.mulf %mul3A_12, %add3A : vector<256x1024xf32>
    %tanh3A = math.tanh %mul3A_13 : vector<256x1024xf32>
    %add3A_14 = arith.constant 1.000000e+00 : f32
    %add3A_15 = vector.broadcast %add3A_14 : f32 to vector<256x1024xf32>
    %add3A_16 = arith.addf %add3A_15, %tanh3A : vector<256x1024xf32>
    %mul3A_17 = arith.constant 5.000000e-01 : f32
    %mul3A_18 = vector.broadcast %mul3A_17 : f32 to vector<256x1024xf32>
    %mul3A_19 = arith.mulf %mul3A_18, %add3A_16 : vector<256x1024xf32>
    %mul3A_20 = arith.mulf %dot_general3A_7, %mul3A_19 : vector<256x1024xf32>
    %convert_element_type3A_21 = arith.truncf %mul3A_20 : vector<256x1024xf32> to vector<256x1024xbf16>
    %get3A_22 = arith.constant 0 : index
    %get3A_23 = arith.constant 0 : index
    %get3A_24 = arith.constant 0 : index
    %get3A_25 = vector.load %arg4[%get3A_22, %get3A_23, %get3A_24] : memref<1x1024x768xf32, #tpu.memory_space<vmem>>, vector<1x1024x768xf32>
    %get3A_26 = vector.shape_cast %get3A_25 : vector<1x1024x768xf32> to vector<1024x768xf32>
    %convert_element_type3A_27 = arith.truncf %get3A_26 : vector<1024x768xf32> to vector<1024x768xbf16>
    %dot_general3A_28 = arith.constant dense<0.000000e+00> : vector<256x768xf32>
    %dot_general3A_29 = tpu.matmul %convert_element_type3A_21, %convert_element_type3A_27, %dot_general3A_28 {dimension_numbers = #tpu.dot_dimension_numbers<[1], [0], [0], [1], [0, 0, 1, 1], [], []>, transpose_lhs_hint = false} : vector<256x1024xbf16>, vector<1024x768xbf16>, vector<256x768xf32> -> vector<256x768xf32>
    %convert_element_type3A_30 = arith.truncf %dot_general3A_29 : vector<256x768xf32> to vector<256x768xbf16>
    %swap3A = arith.constant 0 : index
    %swap3A_31 = arith.constant 0 : index
    %swap3A_32 = vector.load %arg5[%swap3A, %swap3A_31] : memref<256x768xbf16, #tpu.memory_space<vmem>>, vector<256x768xbf16>
    tpu.vector_store %arg5[%swap3A, %swap3A_31], %convert_element_type3A_30 {strides = array<i32>} : memref<256x768xbf16, #tpu.memory_space<vmem>>, vector<256x768xbf16>,
    return
  }
  func.func @transform_0(%arg0: i32, %arg1: memref<24xi32, #tpu.memory_space<smem>>) -> (i32, i32) {
    %c0_i32 = arith.constant 0 : i32
    %c0_i32_0 = arith.constant 0 : i32
    return %arg0, %c0_i32 : i32, i32
  }
  func.func @transform_1(%arg0: i32, %arg1: memref<24xi32, #tpu.memory_space<smem>>) -> (i32, i32, i32) {
    %get3A = arith.index_cast %arg0 : i32 to index
    %get3A_0 = memref.load %arg1[%get3A] : memref<24xi32, #tpu.memory_space<smem>>
    %c0_i32 = arith.constant 0 : i32
    %c0_i32_1 = arith.constant 0 : i32
    %c0_i32_2 = arith.constant 0 : i32
    return %get3A_0, %c0_i32, %c0_i32_1 : i32, i32, i32
  }
  func.func @transform_2(%arg0: i32, %arg1: memref<24xi32, #tpu.memory_space<smem>>) -> (i32, i32, i32) {
    %get3A = arith.index_cast %arg0 : i32 to index
    %get3A_0 = memref.load %arg1[%get3A] : memref<24xi32, #tpu.memory_space<smem>>
    %c0_i32 = arith.constant 0 : i32
    %c0_i32_1 = arith.constant 0 : i32
    %c0_i32_2 = arith.constant 0 : i32
    return %get3A_0, %c0_i32, %c0_i32_1 : i32, i32, i32
  }
  func.func @transform_3(%arg0: i32, %arg1: memref<24xi32, #tpu.memory_space<smem>>) -> (i32, i32) {
    %c0_i32 = arith.constant 0 : i32
    %c0_i32_0 = arith.constant 0 : i32
    return %arg0, %c0_i32 : i32, i32
  }
}

module attributes {stable_mosaic.version = 14 : i64} {
  func.func @_ln2_body(%arg0: memref<2048x768xf32, #tpu.memory_space<vmem>>, %arg1: memref<2048x768xbf16, #tpu.memory_space<vmem>>, %arg2: memref<2048x768xbf16, #tpu.memory_space<vmem>>, %arg3: memref<2048x1xf32, #tpu.memory_space<vmem>>, %arg4: memref<2048x1xf32, #tpu.memory_space<vmem>>, %arg5: memref<1x768xf32, #tpu.memory_space<vmem>>, %arg6: memref<1x768xf32, #tpu.memory_space<vmem>>, %arg7: memref<2048x768xf32, #tpu.memory_space<vmem>>) attributes {dimension_semantics = [], scalar_prefetch = 0 : i64, scratch_operands = 0 : i64, tpu.core_type = #tpu.core_type<tc>} {
    %get3A = arith.constant 0 : index
    %get3A_0 = arith.constant 0 : index
    %get3A_1 = vector.load %arg3[%get3A, %get3A_0] : memref<2048x1xf32, #tpu.memory_space<vmem>>, vector<2048x1xf32>
    %convert_element_type3A = arith.truncf %get3A_1 : vector<2048x1xf32> to vector<2048x1xbf16>
    %convert_element_type3A_2 = arith.extf %convert_element_type3A : vector<2048x1xbf16> to vector<2048x1xf32>
    %get3A_3 = arith.constant 0 : index
    %get3A_4 = arith.constant 0 : index
    %get3A_5 = vector.load %arg4[%get3A_3, %get3A_4] : memref<2048x1xf32, #tpu.memory_space<vmem>>, vector<2048x1xf32>
    %convert_element_type3A_6 = arith.truncf %get3A_5 : vector<2048x1xf32> to vector<2048x1xbf16>
    %convert_element_type3A_7 = arith.extf %convert_element_type3A_6 : vector<2048x1xbf16> to vector<2048x1xf32>
    %get3A_8 = arith.constant 0 : index
    %get3A_9 = arith.constant 0 : index
    %get3A_10 = vector.load %arg1[%get3A_8, %get3A_9] : memref<2048x768xbf16, #tpu.memory_space<vmem>>, vector<2048x768xbf16>
    %convert_element_type3A_11 = arith.extf %get3A_10 : vector<2048x768xbf16> to vector<2048x768xf32>
    %mul3A = vector.broadcast %convert_element_type3A_2 : vector<2048x1xf32> to vector<2048x768xf32>
    %mul3A_12 = arith.mulf %convert_element_type3A_11, %mul3A : vector<2048x768xf32>
    %get3A_13 = arith.constant 0 : index
    %get3A_14 = arith.constant 0 : index
    %get3A_15 = vector.load %arg2[%get3A_13, %get3A_14] : memref<2048x768xbf16, #tpu.memory_space<vmem>>, vector<2048x768xbf16>
    %convert_element_type3A_16 = arith.extf %get3A_15 : vector<2048x768xbf16> to vector<2048x768xf32>
    %mul3A_17 = vector.broadcast %convert_element_type3A_7 : vector<2048x1xf32> to vector<2048x768xf32>
    %mul3A_18 = arith.mulf %convert_element_type3A_16, %mul3A_17 : vector<2048x768xf32>
    %add3A = arith.addf %mul3A_12, %mul3A_18 : vector<2048x768xf32>
    %get3A_19 = arith.constant 0 : index
    %get3A_20 = arith.constant 0 : index
    %get3A_21 = vector.load %arg0[%get3A_19, %get3A_20] : memref<2048x768xf32, #tpu.memory_space<vmem>>, vector<2048x768xf32>
    %add3A_22 = arith.addf %get3A_21, %add3A : vector<2048x768xf32>
    %get3A_23 = arith.constant 0 : index
    %get3A_24 = arith.constant 0 : index
    %get3A_25 = vector.load %arg5[%get3A_23, %get3A_24] : memref<1x768xf32, #tpu.memory_space<vmem>>, vector<1x768xf32>
    %get3A_26 = arith.constant 0 : index
    %get3A_27 = arith.constant 0 : index
    %get3A_28 = vector.load %arg6[%get3A_26, %get3A_27] : memref<1x768xf32, #tpu.memory_space<vmem>>, vector<1x768xf32>
    %reduce_sum3A = arith.constant dense<0.000000e+00> : vector<2048xf32>
    %reduce_sum3A_29 = vector.multi_reduction <add>, %add3A_22, %reduce_sum3A [1] : vector<2048x768xf32> to vector<2048xf32>
    %broadcast_in_dim3A = vector.shape_cast %reduce_sum3A_29 : vector<2048xf32> to vector<2048x1xf32>
    %div3A = arith.constant 7.680000e+02 : f32
    %div3A_30 = vector.broadcast %div3A : f32 to vector<2048x1xf32>
    %div3A_31 = arith.divf %broadcast_in_dim3A, %div3A_30 : vector<2048x1xf32>
    %sub3A = vector.broadcast %div3A_31 : vector<2048x1xf32> to vector<2048x768xf32>
    %sub3A_32 = arith.subf %add3A_22, %sub3A : vector<2048x768xf32>
    %integer_pow3A = arith.mulf %sub3A_32, %sub3A_32 : vector<2048x768xf32>
    %reduce_sum3A_33 = arith.constant dense<0.000000e+00> : vector<2048xf32>
    %reduce_sum3A_34 = vector.multi_reduction <add>, %integer_pow3A, %reduce_sum3A_33 [1] : vector<2048x768xf32> to vector<2048xf32>
    %broadcast_in_dim3A_35 = vector.shape_cast %reduce_sum3A_34 : vector<2048xf32> to vector<2048x1xf32>
    %div3A_36 = arith.constant 7.680000e+02 : f32
    %div3A_37 = vector.broadcast %div3A_36 : f32 to vector<2048x1xf32>
    %div3A_38 = arith.divf %broadcast_in_dim3A_35, %div3A_37 : vector<2048x1xf32>
    %sub3A_39 = vector.broadcast %div3A_31 : vector<2048x1xf32> to vector<2048x768xf32>
    %sub3A_40 = arith.subf %add3A_22, %sub3A_39 : vector<2048x768xf32>
    %add3A_41 = arith.constant 9.99999974E-6 : f32
    %add3A_42 = vector.broadcast %add3A_41 : f32 to vector<2048x1xf32>
    %add3A_43 = arith.addf %div3A_38, %add3A_42 : vector<2048x1xf32>
    %rsqrt3A = math.rsqrt %add3A_43 : vector<2048x1xf32>
    %mul3A_44 = vector.broadcast %rsqrt3A : vector<2048x1xf32> to vector<2048x768xf32>
    %mul3A_45 = arith.mulf %sub3A_40, %mul3A_44 : vector<2048x768xf32>
    %mul3A_46 = vector.broadcast %get3A_25 : vector<1x768xf32> to vector<2048x768xf32>
    %mul3A_47 = arith.mulf %mul3A_45, %mul3A_46 : vector<2048x768xf32>
    %add3A_48 = vector.broadcast %get3A_28 : vector<1x768xf32> to vector<2048x768xf32>
    %add3A_49 = arith.addf %mul3A_47, %add3A_48 : vector<2048x768xf32>
    %swap3A = arith.constant 0 : index
    %swap3A_50 = arith.constant 0 : index
    %swap3A_51 = vector.load %arg7[%swap3A, %swap3A_50] : memref<2048x768xf32, #tpu.memory_space<vmem>>, vector<2048x768xf32>
    tpu.vector_store %arg7[%swap3A, %swap3A_50], %add3A_49 {strides = array<i32>} : memref<2048x768xf32, #tpu.memory_space<vmem>>, vector<2048x768xf32>,
    return
  }
}

</mosaic_0001>

<sc_bundles>
// kernel: kernel.10.cloned.1.call-start
scs
__scs_entry_jumppad:
0x0: {  	(pc) =	sbr.rel $0x88, $3  }
0x1: {  	(tag) =	ssettag $0x0;
	lr =	simm.s32 $0x1  }
0x2: {  	[smem:$0x3F95] =	sst lr;
	_ =	strace $0xD0000000  }
0x3: {  	_ = 	snop  }
0x4: {  	_ = 	snop  }
0x5: {  	_ = 	snop  }
0x6: {  	_ = 	snop  }
0x7: {  	_ = 	snop  }
__scs_overlays_trampoline_lowered:
0x8: {  	[smem:$0x3FA4] =	sst s0  }
0x9: {  	[smem:$0x3FA5] =	sst s1  }
0xa: {  	[smem:$0x3FA6] =	sst s2  }
0xb: {  	[smem:$0x3FA7] =	sst s3  }
0xc: {  	[smem:$0x3FA8] =	sst s4  }
0xd: {  	[smem:$0x3FA9] =	sst s5  }
0xe: {  	[smem:$0x3FAA] =	sst s6  }
0xf: {  	[smem:$0x3FAB] =	sst s7  }
0x10: {  	[smem:$0x3FAC] =	sst s8  }
0x11: {  	[smem:$0x3FAD] =	sst s9;
	s0 =	simm.s32 @!p0 $0x0  }
0x12: {  	s1 =	sld [smem:$0x3F93];
	s0 =	simm.s32 @p0 $0x1  }
0x13: {  	[smem:$0x3FAE] =	sst s0;
	s0 =	simm.s32 @!p1 $0x0  }
0x14: {  	s2 =	sld [smem:$0x3F92];
	s0 =	simm.s32 @p1 $0x1  }
0x15: {  	[smem:$0x3FAF] =	sst s0;
	s0 =	simm.s32 @!p2 $0x0  }
0x16: {  	s3 =	sld [smem:$0x3FDB];
	s0 =	simm.s32 @p2 $0x1  }
0x17: {  	s4 =	simm.s32 $0x1BF5;
	[smem:$0x3FB1] =	sst s0  }
0x18: {  	s0 =	sld [smem:$0x3F94];
	_ =	swait.ge [sflag:s4], $0x0  }
0x19: {  	s7 =	sld [smem:$0x3F95]  }
0x1a: {  	s8 =	sadd.s32 $0xFFFFE003, lr  }
0x1b: {  	s9 =	sadd.s32 $0xFFFFFEF7, lr;
	s5 =	simm.s32 $0xFFFFFFFF;
	p2 =	slt.u32 s8, $0xFFFFF086  }
0x1c: {  	p1 =	slt.u32 s9, $0xF7A;
	s5 =	simm.s32 @!p2 $0x0  }
0x1d: {  	s5 =	simm.s32 @p1 $0x1;
	p0 =	seq.s32 s7, s2  }
0x1e: {  	s7 =	smul.u32 @!p0 $0xF7A, s2;
	p2 =	seq.s32 @!p0 s5, $0x0  }
0x1f: {  	s9 =	smul.u32 $0xF7A, s1;
	s8 =	simm.s32 @!p0 $0x1BF5;
	p2 =	por !p2, p0  }
0x20: {  	[sflag:s8] =	ssyncset.s32 @!p0 $0xFFFFF086;
	s6 =	sadd.s32 @!p0 s3, s7;
	s7 =	simm.s32 @!p0 $0x108  }
0x21: {  	s3 =	sadd.s32 s3, s9;
	s6 =	sadd.s32 @!p0 $0x88, s6;
	s7 =	simm.s32 @p2 $0x1082  }
0x22: {  	[simem:s7], [sflag:s8] =	dma.local @!p0 [hbm:s6], $0xF7A  }
0x23: {  	s9 =	sor.u32 $0xD0000000, s2;
	s6 =	simm.s32 $0x108;
	_ =	swait.ge @!p0 [sflag:s8], $0x0  }
0x24: {  	s3 =	sadd.s32 $0x88, s3;
	s6 =	simm.s32 @!p1 $0x1082;
	[sflag:s4] =	ssyncset.s32 $0xFFFFF086  }
0x25: {  	[simem:s6], [sflag:s4] =	dma.local [hbm:s3], $0xF7A  }
0x26: {  	[smem:$0x3F95] =	sst s1;
	(tag) =	ssettag s2;
	_ =	strace s9  }
0x27: {  	s1 =	sld [smem:$0x3FA5]  }
0x28: {  	s2 =	sld [smem:$0x3FA6]  }
0x29: {  	s4 =	sld [smem:$0x3FA8]  }
0x2a: {  	p0 =	seq.s32 s5, $0x0;
	s5 =	sld [smem:$0x3FA9]  }
0x2b: {  	s6 =	sld [smem:$0x3FAA]  }
0x2c: {  	s7 =	sld [smem:$0x3FAB]  }
0x2d: {  	s3 =	simm.s32 $0x108;
	s8 =	sld [smem:$0x3FAC]  }
0x2e: {  	s3 =	simm.s32 @!p0 $0x1082;
	s9 =	sld [smem:$0x3FAD]  }
0x2f: {  	lr =	sadd.s32 s0, s3;
	s0 =	sld [smem:$0x3FA4]  }
0x30: {  	s3 =	sld [smem:$0x3FA7]  }
0x31: {  	[smem:$0x3FB0] =	sst s10  }
0x32: {  	s10 =	sld [smem:$0x3FAE];
	_ =	sdelay $0x3  }
0x33: {  	p0 =	seq.s32 s10, $0x1;
	s10 =	sld [smem:$0x3FB0];
	_ =	sdelay $0x3  }
0x34: {  	[smem:$0x3FB0] =	sst s10  }
0x35: {  	s10 =	sld [smem:$0x3FAF];
	_ =	sdelay $0x3  }
0x36: {  	p1 =	seq.s32 s10, $0x1;
	s10 =	sld [smem:$0x3FB0];
	_ =	sdelay $0x3  }
0x37: {  	[smem:$0x3FB0] =	sst s10  }
0x38: {  	s10 =	sld [smem:$0x3FB1]  }
0x39: {  	_ = 	snop;
	(pc) =	sbr.ind lr, $3  }
0x3a: {  	_ = 	snop  }
0x3b: {  	_ = 	snop  }
0x3c: {  	p2 =	seq.s32 s10, $0x1;
	s10 =	sld [smem:$0x3FB0]  }
0x3d: {  	_ =	shalt  }
0x3e: {  	_ =	shalt  }
0x3f: {  	_ =	shalt  }
0x40: {  	_ =	shalt  }
0x41: {  	_ =	shalt  }
0x42: {  	_ =	shalt  }
0x43: {  	_ =	shalt  }
0x44: {  	_ =	shalt  }
0x45: {  	_ =	shalt  }
0x46: {  	_ =	shalt  }
0x47: {  	_ =	shalt  }
0x48: {  	_ =	shalt  }
0x49: {  	_ =	shalt  }
0x4a: {  	_ =	shalt  }
0x4b: {  	_ =	shalt  }
0x4c: {  	_ =	shalt  }
0x4d: {  	_ =	shalt  }
0x4e: {  	_ =	shalt  }
0x4f: {  	_ =	shalt  }
0x50: {  	_ =	shalt  }
0x51: {  	_ =	shalt  }
0x52: {  	_ =	shalt  }
0x53: {  	_ =	shalt  }
0x54: {  	_ =	shalt  }
0x55: {  	_ =	shalt  }
0x56: {  	_ =	shalt  }
0x57: {  	_ =	shalt  }
0x58: {  	_ =	shalt  }
0x59: {  	_ =	shalt  }
0x5a: {  	_ =	shalt  }
0x5b: {  	_ =	shalt  }
0x5c: {  	_ =	shalt  }
0x5d: {  	_ =	shalt  }
0x5e: {  	_ =	shalt  }
0x5f: {  	_ =	shalt  }
0x60: {  	_ =	shalt  }
0x61: {  	_ =	shalt  }
0x62: {  	_ =	shalt  }
0x63: {  	_ =	shalt  }
0x64: {  	_ =	shalt  }
0x65: {  	_ =	shalt  }
0x66: {  	_ =	shalt  }
0x67: {  	_ =	shalt  }
0x68: {  	_ =	shalt  }
0x69: {  	_ =	shalt  }
0x6a: {  	_ =	shalt  }
0x6b: {  	_ =	shalt  }
0x6c: {  	_ =	shalt  }
0x6d: {  	_ =	shalt  }
0x6e: {  	_ =	shalt  }
0x6f: {  	_ =	shalt  }
0x70: {  	_ =	shalt  }
0x71: {  	_ =	shalt  }
0x72: {  	_ =	shalt  }
0x73: {  	_ =	shalt  }
0x74: {  	_ =	shalt  }
0x75: {  	_ =	shalt  }
0x76: {  	_ =	shalt  }
0x77: {  	_ =	shalt  }
0x78: {  	_ =	shalt  }
0x79: {  	_ =	shalt  }
0x7a: {  	_ =	shalt  }
0x7b: {  	_ =	shalt  }
0x7c: {  	_ =	shalt  }
0x7d: {  	_ =	shalt  }
0x7e: {  	_ =	shalt  }
0x7f: {  	_ =	shalt  }
0x80: {  	_ =	shalt  }
0x81: {  	_ =	shalt  }
0x82: {  	_ =	shalt  }
0x83: {  	_ =	shalt  }
0x84: {  	_ =	shalt  }
0x85: {  	_ =	shalt  }
0x86: {  	_ =	shalt  }
0x87: {  	_ =	shalt  }
.Lfunc_end0:
.L_simem_size_0:
called_computation_lowered:
.L_overlay_start_0:
0x88: {  	s2 =	sld [smem:$0x3FD9]  }
0x89: {  	s3 =	sld [smem:$0x3FFE];
	_ =	sdelay $0x1  }
0x8a: {  	s1 =	srdreg.scid  }
0x8b: {  	s0 =	sand.u32 $0x1, s1  }
0x8c: {  	s16 =	sshll.u32 s0, $0xA;
	s2 =	sadd.s32 s3, s2  }
0x8d: {  	s2 =	sadd.s32 s2, s16  }
0x8e: {  	[smem:$0x3FBC] =	sst s2  }
0x8f: {  	_ = 	snop  }
0x90: {  	(tm) =	ssettm $0x1  }
0x91: {  	s17 =	sld [smem:$0x3FFB];
	_ =	sdelay $0x3  }
0x92: {  	_ =	strace s17  }
0x93: {  	s2 =	sld [smem:$0x3FFC];
	_ =	sdelay $0x3  }
0x94: {  	_ =	strace s2  }
0x95: {  	s2 =	sld [smem:$0x3FFD];
	_ =	sdelay $0x3  }
0x96: {  	_ =	strace s2  }
0x97: {  	_ =	strace $0x8FFFFFFF  }
0x98: {  	s18 =	sld [smem:$0x3FDB];
	_ =	sdelay $0x1  }
0x99: {  	s19 =	simm.s32 $_scs_section_size  }
0x9a: {  	s4 =	simm.s32 $_size__tile_overlayer_lowered;
	s5 =	simm.s32 $_tile_overlayer_lowered  }
0x9b: {  	s22 =	simm.s32 $0x1BFF;
	s21 =	sshll.u32 s5, $0x1;
	s2 =	sadd.s32 s19, s18  }
0x9c: {  	s6 =	simm.s32 $0x0;
	s20 =	sshll.u32 s4, $0x1;
	s4 =	sadd.s32 s21, s2  }
0x9d: {  	[timem:s6], [sflag:s22] =	dma.local [hbm:s4], s20  }
0x9e: {  	_ =	swait.ge [sflag:s22], s20  }
0x9f: {  	s3 =	ssub.s32 $0x0, s20;
	[sflag:s22] =	ssyncset.done $0x0  }
0xa0: {  	[sflag:s22] =	ssyncadd.s32 s3;
	_ =	sdelay $0x1  }
0xa1: {  	s23 =	simm.s32 $0x1B8B  }
0xa2: {  	_ =	swait.ge [sflag:s23], $0x1  }
0xa3: {  	[sflag:s23] =	ssyncset.done $0x0  }
0xa4: {  	s25 =	simm.s32 $0x1B8E;
	s24 =	sld [smem:$0x3FFE];
	[sflag:s23] =	ssyncadd.s32 $0xFFFFFFFF  }
0xa5: {  	s26 =	simm.s32 $execute0_lowered;
	[smem:$0x3FD2] =	sst s25  }
0xa6: {  	s4 =	sshll.u32 s26, $0x1;
	_ =	strace $0x80000046;
	[dreg:$0x1] =	wrdreg $0xFFFFFFFF  }
0xa7: {  	s28 =	simm.s32 $_size_execute0_lowered;
	s2 =	sadd.s32 s2, s4;
	[dreg:$0x0] =	wrdreg $0x0  }
0xa8: {  	s4 =	sshll.u32 s28, $0x1;
	[dreg:$0x2] =	wrdreg s2  }
0xa9: {  	[dreg:$0x3] =	wrdreg s4  }
0xaa: {  	[dreg:$0x4] =	wrdreg $0xC0  }
0xab: {  	_ =	task [dreg:s6], $0x5FFFF  }
0xac: {  	[dreg:$0x1] =	wrdreg $0xFFFFFFFF  }
0xad: {  	[dreg:$0x0] =	wrdreg $0x60  }
0xae: {  	[dreg:$0x2] =	wrdreg s24  }
0xaf: {  	[dreg:$0x3] =	wrdreg $0x9  }
0xb0: {  	_ =	task.clear_ibuf [dreg:s6], $0x4FFFF;
	_ =	strace $0x90000046  }
0xb1: {  	s29 =	simm.s32 $0x9;
	_ =	strace $0x80000048  }
0xb2: {  	_ =	swait.ge [sflag:s29], $0x1  }
0xb3: {  	[sflag:s29] =	ssyncadd.s32 $0xFFFFFFFF  }
0xb4: {  	_ =	strace $0x90000048  }
0xb5: {  	_ =	sfence  }
0xb6: {  	s30 =	sld [smem:$0x0];
	_ =	sdelay $0x2  }
0xb7: {  	s31 =	sshll.u32 s1, $0xD;
	s1 =	sshrl.u32 s1, $0x2  }
0xb8: {  	s3 =	sand.u32 $0x4000, s31;
	s1 =	sadd.s32 s1, s30  }
0xb9: {  	s0 =	sor.u32 s3, s0;
	s1 =	sshll.u32 s1, $0x11  }
0xba: {  	s0 =	sor.u32 s1, s0  }
0xbb: {  	s0 =	sadd.s32 $0x8F2B, s0  }
0xbc: {  	[sflag:s0] =	ssyncadd.remote.s32 $0x1  }
0xbd: {  	_ =	sfence.sel $0xFFFF  }
0xbe: {  	[dreg:$0x0] =	wrdreg $0xFFFFFFFF;
	(pc) =	sbr.abs _section_cstart, $3  }
0xbf: {  	[dreg:$0x1] =	wrdreg $0xFFFFFFFF  }
0xc0: {  	_ =	task.clear_ibuf [dreg:s6], $0x2FFFF;
	_ =	strace $0x9FFFFFFF  }
0xc1: {  	(tm) =	ssettm $0x7FFFFFFF  }
tec
execute0_lowered:
.L_overlay_start_1:
0x0: {  	(tag) =	ssettag $0x1  }
0x1: {  	s0 =	srdreg.scid  }
0x2: {  	s4 =	sand.u32 $0x1, s0;
	s0 =	stileid.u32  }
0x3: {  	s2 =	sshll.u32 s0, $0x1;
	s3 =	ssub.s32 $0x0, s4  }
0x4: {  	p0 =	sne.s32 s2, s3  }
.Ltmp0:
0x5: {  	_ = 	snop;
	(pc) =	sbr.rel @p0 .LBB2_7-.Ltmp0, $3  }
0x6: {  	_ =	sdelay $0x1  }
0x7: {  	s7 =	rddreg [dreg:$0x0]  }
0x8: {  	s1 =	rddreg [dreg:$0x1];
	_ =	strace $0x80000047  }
0x9: {  	s2 =	sadd.s32 $0x11E00, s7;
	s3 =	sadd.s32 $0x12000, s7;
	s8 =	ssub.s32 $0x2, s4  }
0xa: {  	s4 =	sadd.s32 $0x12200, s7;
	s5 =	sadd.s32 $0x12400, s7;
	s6 =	sadd.s32 $0x12A00, s7  }
0xb: {  	s7 =	sadd.s32 $0x12600, s7;
	s10 =	simm.s32 $0x3000;
	s11 =	simm.s32 $0x1  }
0xc: {  	s12 =	simm.s32 $0x3800;
	s13 =	simm.s32 $0x4000;
	s9 =	sshrl.u32 s8, $0x1  }
0xd: {  	s14 =	simm.s32 $0x4800;
	s15 =	simm.s32 $0x1800;
	s8 =	ssub.s32 s8, s9  }
0xe: {  	v0 =	vimm.s32 $0x0;
	v1 =	vimm.f32 $0.0e+00;
	v2 =	vlaneseq.u32;
	s16 =	simm.s32 $0x0;
	s9 =	simm.s32 $0x0;
	s8 =	smax.u32 s8, $0x1  }
.LBB2_2:
0xf: {  	[tilespmem:s10], [sflag:$0x1] =	stream.linear.gather [hbm4b:s2+s9], $0x800, $0x38;
	[tilespmem:$0x5000] =	vst v63  }
0x10: {  	_ =	swait.ge [sflag:s11], $0x800  }
0x11: {  	[sflag:s11] =	ssyncset.done $0x0  }
0x12: {  	[sflag:s11] =	ssyncadd.s32 $0xFFFFF800  }
0x13: {  	[tilespmem:s12], [sflag:$0x1] =	stream.linear.gather [hbm4b:s3+s9], $0x800, $0x38;
	[tilespmem:$0x5000] =	vst v63  }
0x14: {  	_ =	swait.ge [sflag:s11], $0x800  }
0x15: {  	[sflag:s11] =	ssyncset.done $0x0  }
0x16: {  	[sflag:s11] =	ssyncadd.s32 $0xFFFFF800  }
0x17: {  	[tilespmem:s13], [sflag:$0x1] =	stream.linear.gather [hbm4b:s4+s9], $0x800, $0x38;
	[tilespmem:$0x5000] =	vst v63  }
0x18: {  	_ =	swait.ge [sflag:s11], $0x800  }
0x19: {  	[sflag:s11] =	ssyncset.done $0x0  }
0x1a: {  	[sflag:s11] =	ssyncadd.s32 $0xFFFFF800  }
0x1b: {  	[tilespmem:s14], [sflag:$0x1] =	stream.linear.gather [hbm4b:s5+s9], $0x800, $0x38;
	[tilespmem:$0x5000] =	vst v63  }
0x1c: {  	_ =	swait.ge [sflag:s11], $0x800  }
0x1d: {  	[sflag:s11] =	ssyncset.done $0x0  }
0x1e: {  	s17 =	simm.s32 $0x0;
	[sflag:s11] =	ssyncadd.s32 $0xFFFFF800  }
.LBB2_3:
0x1f: {  	p0 =	sne.s32 s17, $0x5FC0  }
.Ltmp1:
0x20: {  	_ = 	snop;
	(pc) =	sbr.rel @p0 .LBB2_3-.Ltmp1, $4  }
0x21: {  	_ = 	snop  }
0x22: {  	s18 =	sshra.s32 s17, $0x2  }
0x23: {  	[tilespmem:s18+$0x0] =	vst v0  }
0x24: {  	s17 =	sadd.s32 $0x40, s17;
	[tilespmem:s18+$0x1800] =	vst v1  }
0x25: {  	s17 =	simm.s32 $0x0;
	s18 =	simm.s32 $0x3000  }
0x26: {  	s19 =	simm.s32 $0x4000;
	s20 =	simm.s32 $0x3800;
	s21 =	simm.s32 $0x4800  }
.LBB2_5:
0x27: {  	v3 =	vld [tilespmem:s18+$0x0];
	_ =	sdelay $0x6  }
0x28: {  	v4 =	vor.u32 s17, v2  }
0x29: {  	[tilespmem:v3+s9+$0x0] =	vst.idx.msk $0xffff, v4  }
0x2a: {  	v5 =	vld [tilespmem:s19+$0x0];
	_ =	sdelay $0x4  }
0x2b: {  	[tilespmem:v3+s15+$0x0] =	vst.idx.msk $0xffff, v5  }
0x2c: {  	v3 =	vld [tilespmem:s20+$0x0];
	_ =	sdelay $0x7  }
0x2d: {  	[tilespmem:v3+s9+$0x0] =	vst.idx.msk $0xffff, v4  }
0x2e: {  	p0 =	sne.s32 s17, $0x7F0;
	v4 =	vld [tilespmem:s21+$0x0]  }
.Ltmp2:
0x2f: {  	_ = 	snop;
	(pc) =	sbr.rel @p0 .LBB2_5-.Ltmp2, $3  }
0x30: {  	_ =	sdelay $0x1  }
0x31: {  	s18 =	sadd.s32 $0x10, s18;
	s17 =	sadd.s32 $0x10, s17  }
0x32: {  	s19 =	sadd.s32 $0x10, s19;
	s20 =	sadd.s32 $0x10, s20;
	s21 =	sadd.s32 $0x10, s21;
	[tilespmem:v3+s15+$0x0] =	vst.idx.msk $0xffff, v4  }
0x33: {  	[hbm4b:s6+s9] =	stream.linear.scatter [tilespmem:s9], [sflag:$0x1], $0x1800, $0x38;
	[tilespmem:$0x5000] =	vst v63  }
0x34: {  	s16 =	sadd.s32 $0x1, s16;
	_ =	swait.ge [sflag:s11], $0x1800  }
0x35: {  	p0 =	sne.s32 s16, s8;
	[sflag:s11] =	ssyncset.done $0x0  }
.Ltmp3:
0x36: {  	[sflag:s11] =	ssyncadd.s32 $0xFFFFE800;
	(pc) =	sbr.rel @p0 .LBB2_2-.Ltmp3, $4  }
0x37: {  	[hbm4b:s7+s9] =	stream.linear.scatter [tilespmem:s15], [sflag:$0x1], $0x1800, $0x38;
	[tilespmem:$0x5000] =	vst v63  }
0x38: {  	_ =	swait.ge [sflag:s11], $0x1800  }
0x39: {  	[sflag:s11] =	ssyncset.done $0x0  }
0x3a: {  	[sflag:s11] =	ssyncadd.s32 $0xFFFFE800  }
.LBB2_7:
0x3b: {  	_ =	sfence.sel $0x180000  }
0x3c: {  	[bflag:$0x0] =	sbarrier.arrive $0xFFFF  }
0x3d: {  	p0 =	sne.s32 s0, $0x0;
	_ =	strace $0x90000047  }
0x3e: {  	s0 =	sadd.s32 @!p0 $0x100000, s1;
	[bflag:$0x2] =	sbarrier.arrive $0xFFFF  }
0x3f: {  	[sflag:s0] =	ssyncadd.tile.s32 @!p0 $0x1;
	_ =	shalt  }
.Lfunc_end2:
_tile_overlayer_lowered:
.L_overlay_start_2:
0x40: {  	(tag) =	ssettag $0x2  }
0x41: {  	s0 =	rddreg [dreg:$0x0];
	s2 =	stileid.u32  }
0x42: {  	s1 =	rddreg [dreg:$0x1];
	p0 =	sne.s32 s2, $0x0  }
0x43: {  	s3 =	rddreg [dreg:$0x2];
	[bflag:$0x3] =	sbarrier.arrive $0xFFFF;
	s2 =	simm.s32 @!p0 $0x1C01  }
0x44: {  	[timem:s3], [sflag:s2] =	dma.local @!p0 [hbm:s0], s1  }
0x45: {  	s0 =	simm.s32 @!p0 $0x1  }
0x46: {  	_ =	swait.ge @!p0 [sflag:s0], s1  }
0x47: {  	s1 =	ssub.s32 @!p0 $0x0, s1;
	[sflag:s0] =	ssyncset.done @!p0 $0x0  }
0x48: {  	[sflag:s0] =	ssyncadd.s32 @!p0 s1  }
0x49: {  	[bflag:$0x3] =	sbarrier.arrive $0xFFFF  }
0x4a: {  	_ =	shalt  }

// kernel: kernel.13.cloned.1.call-start
scs
__scs_entry_jumppad:
0x0: {  	(pc) =	sbr.rel $0x88, $3  }
0x1: {  	(tag) =	ssettag $0x0;
	lr =	simm.s32 $0x1  }
0x2: {  	[smem:$0x3F95] =	sst lr;
	_ =	strace $0xD0000000  }
0x3: {  	_ = 	snop  }
0x4: {  	_ = 	snop  }
0x5: {  	_ = 	snop  }
0x6: {  	_ = 	snop  }
0x7: {  	_ = 	snop  }
__scs_overlays_trampoline_lowered:
0x8: {  	[smem:$0x3FA4] =	sst s0  }
0x9: {  	[smem:$0x3FA5] =	sst s1  }
0xa: {  	[smem:$0x3FA6] =	sst s2  }
0xb: {  	[smem:$0x3FA7] =	sst s3  }
0xc: {  	[smem:$0x3FA8] =	sst s4  }
0xd: {  	[smem:$0x3FA9] =	sst s5  }
0xe: {  	[smem:$0x3FAA] =	sst s6  }
0xf: {  	[smem:$0x3FAB] =	sst s7  }
0x10: {  	[smem:$0x3FAC] =	sst s8  }
0x11: {  	[smem:$0x3FAD] =	sst s9;
	s0 =	simm.s32 @!p0 $0x0  }
0x12: {  	s1 =	sld [smem:$0x3F93];
	s0 =	simm.s32 @p0 $0x1  }
0x13: {  	[smem:$0x3FAE] =	sst s0;
	s0 =	simm.s32 @!p1 $0x0  }
0x14: {  	s2 =	sld [smem:$0x3F92];
	s0 =	simm.s32 @p1 $0x1  }
0x15: {  	[smem:$0x3FAF] =	sst s0;
	s0 =	simm.s32 @!p2 $0x0  }
0x16: {  	s3 =	sld [smem:$0x3FDB];
	s0 =	simm.s32 @p2 $0x1  }
0x17: {  	s4 =	simm.s32 $0x1BF5;
	[smem:$0x3FB1] =	sst s0  }
0x18: {  	s0 =	sld [smem:$0x3F94];
	_ =	swait.ge [sflag:s4], $0x0  }
0x19: {  	s7 =	sld [smem:$0x3F95]  }
0x1a: {  	s8 =	sadd.s32 $0xFFFFE003, lr  }
0x1b: {  	s9 =	sadd.s32 $0xFFFFFEF7, lr;
	s5 =	simm.s32 $0xFFFFFFFF;
	p2 =	slt.u32 s8, $0xFFFFF086  }
0x1c: {  	p1 =	slt.u32 s9, $0xF7A;
	s5 =	simm.s32 @!p2 $0x0  }
0x1d: {  	s5 =	simm.s32 @p1 $0x1;
	p0 =	seq.s32 s7, s2  }
0x1e: {  	s7 =	smul.u32 @!p0 $0xF7A, s2;
	p2 =	seq.s32 @!p0 s5, $0x0  }
0x1f: {  	s9 =	smul.u32 $0xF7A, s1;
	s8 =	simm.s32 @!p0 $0x1BF5;
	p2 =	por !p2, p0  }
0x20: {  	[sflag:s8] =	ssyncset.s32 @!p0 $0xFFFFF086;
	s6 =	sadd.s32 @!p0 s3, s7;
	s7 =	simm.s32 @!p0 $0x108  }
0x21: {  	s3 =	sadd.s32 s3, s9;
	s6 =	sadd.s32 @!p0 $0x88, s6;
	s7 =	simm.s32 @p2 $0x1082  }
0x22: {  	[simem:s7], [sflag:s8] =	dma.local @!p0 [hbm:s6], $0xF7A  }
0x23: {  	s9 =	sor.u32 $0xD0000000, s2;
	s6 =	simm.s32 $0x108;
	_ =	swait.ge @!p0 [sflag:s8], $0x0  }
0x24: {  	s3 =	sadd.s32 $0x88, s3;
	s6 =	simm.s32 @!p1 $0x1082;
	[sflag:s4] =	ssyncset.s32 $0xFFFFF086  }
0x25: {  	[simem:s6], [sflag:s4] =	dma.local [hbm:s3], $0xF7A  }
0x26: {  	[smem:$0x3F95] =	sst s1;
	(tag) =	ssettag s2;
	_ =	strace s9  }
0x27: {  	s1 =	sld [smem:$0x3FA5]  }
0x28: {  	s2 =	sld [smem:$0x3FA6]  }
0x29: {  	s4 =	sld [smem:$0x3FA8]  }
0x2a: {  	p0 =	seq.s32 s5, $0x0;
	s5 =	sld [smem:$0x3FA9]  }
0x2b: {  	s6 =	sld [smem:$0x3FAA]  }
0x2c: {  	s7 =	sld [smem:$0x3FAB]  }
0x2d: {  	s3 =	simm.s32 $0x108;
	s8 =	sld [smem:$0x3FAC]  }
0x2e: {  	s3 =	simm.s32 @!p0 $0x1082;
	s9 =	sld [smem:$0x3FAD]  }
0x2f: {  	lr =	sadd.s32 s0, s3;
	s0 =	sld [smem:$0x3FA4]  }
0x30: {  	s3 =	sld [smem:$0x3FA7]  }
0x31: {  	[smem:$0x3FB0] =	sst s10  }
0x32: {  	s10 =	sld [smem:$0x3FAE];
	_ =	sdelay $0x3  }
0x33: {  	p0 =	seq.s32 s10, $0x1;
	s10 =	sld [smem:$0x3FB0];
	_ =	sdelay $0x3  }
0x34: {  	[smem:$0x3FB0] =	sst s10  }
0x35: {  	s10 =	sld [smem:$0x3FAF];
	_ =	sdelay $0x3  }
0x36: {  	p1 =	seq.s32 s10, $0x1;
	s10 =	sld [smem:$0x3FB0];
	_ =	sdelay $0x3  }
0x37: {  	[smem:$0x3FB0] =	sst s10  }
0x38: {  	s10 =	sld [smem:$0x3FB1]  }
0x39: {  	_ = 	snop;
	(pc) =	sbr.ind lr, $3  }
0x3a: {  	_ = 	snop  }
0x3b: {  	_ = 	snop  }
0x3c: {  	p2 =	seq.s32 s10, $0x1;
	s10 =	sld [smem:$0x3FB0]  }
0x3d: {  	_ =	shalt  }
0x3e: {  	_ =	shalt  }
0x3f: {  	_ =	shalt  }
0x40: {  	_ =	shalt  }
0x41: {  	_ =	shalt  }
0x42: {  	_ =	shalt  }
0x43: {  	_ =	shalt  }
0x44: {  	_ =	shalt  }
0x45: {  	_ =	shalt  }
0x46: {  	_ =	shalt  }
0x47: {  	_ =	shalt  }
0x48: {  	_ =	shalt  }
0x49: {  	_ =	shalt  }
0x4a: {  	_ =	shalt  }
0x4b: {  	_ =	shalt  }
0x4c: {  	_ =	shalt  }
0x4d: {  	_ =	shalt  }
0x4e: {  	_ =	shalt  }
0x4f: {  	_ =	shalt  }
0x50: {  	_ =	shalt  }
0x51: {  	_ =	shalt  }
0x52: {  	_ =	shalt  }
0x53: {  	_ =	shalt  }
0x54: {  	_ =	shalt  }
0x55: {  	_ =	shalt  }
0x56: {  	_ =	shalt  }
0x57: {  	_ =	shalt  }
0x58: {  	_ =	shalt  }
0x59: {  	_ =	shalt  }
0x5a: {  	_ =	shalt  }
0x5b: {  	_ =	shalt  }
0x5c: {  	_ =	shalt  }
0x5d: {  	_ =	shalt  }
0x5e: {  	_ =	shalt  }
0x5f: {  	_ =	shalt  }
0x60: {  	_ =	shalt  }
0x61: {  	_ =	shalt  }
0x62: {  	_ =	shalt  }
0x63: {  	_ =	shalt  }
0x64: {  	_ =	shalt  }
0x65: {  	_ =	shalt  }
0x66: {  	_ =	shalt  }
0x67: {  	_ =	shalt  }
0x68: {  	_ =	shalt  }
0x69: {  	_ =	shalt  }
0x6a: {  	_ =	shalt  }
0x6b: {  	_ =	shalt  }
0x6c: {  	_ =	shalt  }
0x6d: {  	_ =	shalt  }
0x6e: {  	_ =	shalt  }
0x6f: {  	_ =	shalt  }
0x70: {  	_ =	shalt  }
0x71: {  	_ =	shalt  }
0x72: {  	_ =	shalt  }
0x73: {  	_ =	shalt  }
0x74: {  	_ =	shalt  }
0x75: {  	_ =	shalt  }
0x76: {  	_ =	shalt  }
0x77: {  	_ =	shalt  }
0x78: {  	_ =	shalt  }
0x79: {  	_ =	shalt  }
0x7a: {  	_ =	shalt  }
0x7b: {  	_ =	shalt  }
0x7c: {  	_ =	shalt  }
0x7d: {  	_ =	shalt  }
0x7e: {  	_ =	shalt  }
0x7f: {  	_ =	shalt  }
0x80: {  	_ =	shalt  }
0x81: {  	_ =	shalt  }
0x82: {  	_ =	shalt  }
0x83: {  	_ =	shalt  }
0x84: {  	_ =	shalt  }
0x85: {  	_ =	shalt  }
0x86: {  	_ =	shalt  }
0x87: {  	_ =	shalt  }
.Lfunc_end0:
.L_simem_size_0:
called_computation.1_lowered:
.L_overlay_start_0:
0x88: {  	s2 =	sld [smem:$0x3FD9]  }
0x89: {  	s3 =	sld [smem:$0x3FFE];
	_ =	sdelay $0x1  }
0x8a: {  	s1 =	srdreg.scid  }
0x8b: {  	s0 =	sand.u32 $0x1, s1  }
0x8c: {  	s16 =	sshll.u32 s0, $0xA;
	s2 =	sadd.s32 s3, s2  }
0x8d: {  	s2 =	sadd.s32 s2, s16  }
0x8e: {  	[smem:$0x3FBC] =	sst s2  }
0x8f: {  	_ = 	snop  }
0x90: {  	(tm) =	ssettm $0x1  }
0x91: {  	s17 =	sld [smem:$0x3FFB];
	_ =	sdelay $0x3  }
0x92: {  	_ =	strace s17  }
0x93: {  	s2 =	sld [smem:$0x3FFC];
	_ =	sdelay $0x3  }
0x94: {  	_ =	strace s2  }
0x95: {  	s2 =	sld [smem:$0x3FFD];
	_ =	sdelay $0x3  }
0x96: {  	_ =	strace s2  }
0x97: {  	_ =	strace $0x8FFFFFFF  }
0x98: {  	s18 =	sld [smem:$0x3FDB];
	_ =	sdelay $0x1  }
0x99: {  	s19 =	simm.s32 $_scs_section_size  }
0x9a: {  	s4 =	simm.s32 $_size__tile_overlayer_lowered;
	s5 =	simm.s32 $_tile_overlayer_lowered  }
0x9b: {  	s22 =	simm.s32 $0x1BFF;
	s21 =	sshll.u32 s5, $0x1;
	s2 =	sadd.s32 s19, s18  }
0x9c: {  	s6 =	simm.s32 $0x0;
	s20 =	sshll.u32 s4, $0x1;
	s4 =	sadd.s32 s21, s2  }
0x9d: {  	[timem:s6], [sflag:s22] =	dma.local [hbm:s4], s20  }
0x9e: {  	_ =	swait.ge [sflag:s22], s20  }
0x9f: {  	s3 =	ssub.s32 $0x0, s20;
	[sflag:s22] =	ssyncset.done $0x0  }
0xa0: {  	[sflag:s22] =	ssyncadd.s32 s3;
	_ =	sdelay $0x1  }
0xa1: {  	s23 =	simm.s32 $0x1B8B  }
0xa2: {  	_ =	swait.ge [sflag:s23], $0x1  }
0xa3: {  	[sflag:s23] =	ssyncset.done $0x0  }
0xa4: {  	s25 =	simm.s32 $0x1B8E;
	s24 =	sld [smem:$0x3FFE];
	[sflag:s23] =	ssyncadd.s32 $0xFFFFFFFF  }
0xa5: {  	s26 =	simm.s32 $execute0_lowered;
	[smem:$0x3FD2] =	sst s25  }
0xa6: {  	s4 =	sshll.u32 s26, $0x1;
	_ =	strace $0x80000049;
	[dreg:$0x1] =	wrdreg $0xFFFFFFFF  }
0xa7: {  	s28 =	simm.s32 $_size_execute0_lowered;
	s2 =	sadd.s32 s2, s4;
	[dreg:$0x0] =	wrdreg $0x0  }
0xa8: {  	s4 =	sshll.u32 s28, $0x1;
	[dreg:$0x2] =	wrdreg s2  }
0xa9: {  	[dreg:$0x3] =	wrdreg s4  }
0xaa: {  	[dreg:$0x4] =	wrdreg $0xC0  }
0xab: {  	_ =	task [dreg:s6], $0x5FFFF  }
0xac: {  	[dreg:$0x1] =	wrdreg $0xFFFFFFFF  }
0xad: {  	[dreg:$0x0] =	wrdreg $0x60  }
0xae: {  	[dreg:$0x2] =	wrdreg s24  }
0xaf: {  	[dreg:$0x3] =	wrdreg $0x9  }
0xb0: {  	_ =	task.clear_ibuf [dreg:s6], $0x4FFFF;
	_ =	strace $0x90000049  }
0xb1: {  	s29 =	simm.s32 $0x9;
	_ =	strace $0x8000004B  }
0xb2: {  	_ =	swait.ge [sflag:s29], $0x1  }
0xb3: {  	[sflag:s29] =	ssyncadd.s32 $0xFFFFFFFF  }
0xb4: {  	_ =	strace $0x9000004B  }
0xb5: {  	_ =	sfence  }
0xb6: {  	s30 =	sld [smem:$0x0];
	_ =	sdelay $0x2  }
0xb7: {  	s31 =	sshll.u32 s1, $0xD;
	s1 =	sshrl.u32 s1, $0x2  }
0xb8: {  	s3 =	sand.u32 $0x4000, s31;
	s1 =	sadd.s32 s1, s30  }
0xb9: {  	s0 =	sor.u32 s3, s0;
	s1 =	sshll.u32 s1, $0x11  }
0xba: {  	s0 =	sor.u32 s1, s0  }
0xbb: {  	s0 =	sadd.s32 $0x8F2B, s0  }
0xbc: {  	[sflag:s0] =	ssyncadd.remote.s32 $0x1  }
0xbd: {  	_ =	sfence.sel $0xFFFF  }
0xbe: {  	[dreg:$0x0] =	wrdreg $0xFFFFFFFF;
	(pc) =	sbr.abs _section_cstart, $3  }
0xbf: {  	[dreg:$0x1] =	wrdreg $0xFFFFFFFF  }
0xc0: {  	_ =	task.clear_ibuf [dreg:s6], $0x2FFFF;
	_ =	strace $0x9FFFFFFF  }
0xc1: {  	(tm) =	ssettm $0x7FFFFFFF  }
tec
execute0_lowered:
.L_overlay_start_1:
0x0: {  	(tag) =	ssettag $0x1  }
0x1: {  	s1 =	srdreg.scid  }
0x2: {  	s0 =	stileid.u32;
	s4 =	rddreg [dreg:$0x0]  }
0x3: {  	s8 =	simm.s32 $0x900;
	s9 =	simm.s32 $0xD00;
	s10 =	simm.s32 $0x1500  }
0x4: {  	s11 =	simm.s32 $0x1900;
	s12 =	simm.s32 $0x2100;
	s13 =	simm.s32 $0x2500  }
0x5: {  	s16 =	simm.s32 $0x6900;
	s17 =	simm.s32 $0x6D00;
	s18 =	simm.s32 $0x7500  }
0x6: {  	s19 =	simm.s32 $0x7900;
	s1 =	sand.u32 $0x1, s1;
	s2 =	sshll.u32 s0, $0x1  }
0x7: {  	s20 =	simm.s32 $0x8100;
	s21 =	simm.s32 $0x8500;
	s2 =	sor.u32 s1, s2  }
0x8: {  	s22 =	simm.s32 $0x8D00;
	s3 =	smul.u32 $0xC0, s2;
	s2 =	simm.s32 $0x0  }
0x9: {  	s23 =	simm.s32 $0x9100;
	s24 =	simm.s32 $0x9900;
	[smem:$0x7FF] =	sst s2  }
0xa: {  	s25 =	simm.s32 $0x9D00;
	_ =	strace $0x8000004A;
	[dreg:$0x6] =	wrdreg s16  }
0xb: {  	s26 =	simm.s32 $0xA500;
	s28 =	simm.s32 $0xBD00;
	[dreg:$0x7] =	wrdreg s17  }
0xc: {  	s29 =	simm.s32 $0x1;
	s1 =	ssub.s32 $0x2, s1;
	[dreg:$0x8] =	wrdreg s18  }
0xd: {  	s30 =	simm.s32 $0x3;
	s7 =	sshrl.u32 s1, $0x1;
	[dreg:$0x9] =	wrdreg s19  }
0xe: {  	s31 =	simm.s32 $0x2;
	s1 =	ssub.s32 s1, s7;
	[dreg:$0xa] =	wrdreg s20  }
0xf: {  	s7 =	simm.s32 $0x100;
	s3 =	sshrl.u32 s3, $0x3;
	[dreg:$0xb] =	wrdreg s21  }
0x10: {  	s16 =	simm.s32 $0x3900;
	s17 =	simm.s32 $0x3D00;
	[dreg:$0xc] =	wrdreg s22  }
0x11: {  	s18 =	simm.s32 $0x4500;
	s19 =	simm.s32 $0x4900;
	[dreg:$0xd] =	wrdreg s23  }
0x12: {  	s20 =	simm.s32 $0x5100;
	s21 =	simm.s32 $0x5500;
	[dreg:$0xe] =	wrdreg s24  }
0x13: {  	s22 =	simm.s32 $0x5D00;
	[dreg:$0xf] =	wrdreg s25;
	s5 =	smul.u32 $0x180, s3  }
0x14: {  	s23 =	simm.s32 $0x6100;
	[dreg:$0x10] =	wrdreg s26;
	s6 =	sadd.s32 s3, s4  }
0x15: {  	s25 =	simm.s32 $0xB100;
	s6 =	sadd.s32 $0x12A00, s6;
	s5 =	sadd.s32 s5, s4  }
0x16: {  	s26 =	simm.s32 $0xB500;
	[dreg:$0x2] =	wrdreg s6;
	s14 =	sadd.s32 $0x2AE00, s5  }
0x17: {  	s3 =	sadd.s32 $0x12E00, s4;
	s15 =	sadd.s32 $0x2BA00, s5;
	[dreg:$0x3] =	wrdreg s14  }
0x18: {  	v2 =	vlaneseq.u32;
	s4 =	sadd.s32 $0x12F00, s4;
	s5 =	sadd.s32 $0x2C600, s5;
	[dreg:$0x4] =	wrdreg s15  }
0x19: {  	vm0 =	vmmov $0xffff;
	vm1 =	vmmov $0xff;
	v1 =	vshrl.u32 v2, $0x3;
	s6 =	simm.s32 $0x5;
	[dreg:$0x5] =	wrdreg s5;
	s5 =	smax.u32 s1, $0x1  }
0x1a: {  	v0 =	vand.u32 $0x7, v2;
	v2 =	vor.u32 $0x8, v2;
	v1 =	vmul.u32 $0x8, v1;
	s14 =	simm.s32 $0x2D00;
	s15 =	simm.s32 $0x3100;
	s1 =	simm.s32 $0x4  }
.LBB2_1:
0x1b: {  	s0 =	rddreg [dreg:$0x2]  }
0x1c: {  	[tilespmem:s2], [sflag:$0x5] =	stream.linear.gather [hbm4b:s0+s2], $0xC0, $0x38;
	[tilespmem:$0xC100] =	vst v63  }
0x1d: {  	_ =	swait.ge [sflag:s6], $0xC0  }
0x1e: {  	[sflag:s6] =	ssyncset.done $0x0  }
0x1f: {  	[sflag:s6] =	ssyncadd.s32 $0xFFFFFF40  }
0x20: {  	v3 =	vld [tilespmem:$0x0];
	_ =	sdelay $0x4  }
0x21: {  	v4 =	vshrl.u32 v3, $0x3  }
0x22: {  	v4 =	vmul.u32 $0x18, v4  }
0x23: {  	v3 =	vand.u32 $0x7, v3  }
0x24: {  	v3 =	vor.u32 v3, v4  }
0x25: {  	v4 =	vperm.xlane v3, v0;
	_ =	sdelay $0x1  }
0x26: {  	v4 =	vadd.s32 v1, v4;
	_ =	sdelay $0x1  }
0x27: {  	v3 =	vperm.xlane v3, v2;
	_ =	sdelay $0x1  }
0x28: {  	v3 =	vadd.s32 v1, v3  }
0x29: {  	[tilespmem:s7], [sflag:$0x1] =	stream.indirect_vreg.gather [hbm4b:s3+s2], $0x80, v4, vm0, $0xb8;
	[tilespmem:$0xC100] =	vst v63  }
0x2a: {  	_ = 	snop  }
0x2b: {  	[tilespmem:s8], [sflag:$0x1] =	stream.indirect_vreg.gather [hbm4b:s4+s2], $0x80, v4, vm1, $0xb8;
	[tilespmem:$0xC100] =	vst v63  }
0x2c: {  	_ = 	snop  }
0x2d: {  	[tilespmem:s9], [sflag:$0x1] =	stream.indirect_vreg.gather [hbm4b:s3+s2], $0x80, v3, vm0, $0xb8;
	[tilespmem:$0xC100] =	vst v63  }
0x2e: {  	_ = 	snop  }
0x2f: {  	[tilespmem:s10], [sflag:$0x1] =	stream.indirect_vreg.gather [hbm4b:s4+s2], $0x80, v3, vm1, $0xb8;
	[tilespmem:$0xC100] =	vst v63  }
0x30: {  	v3 =	vld [tilespmem:$0x10];
	_ =	sdelay $0x4  }
0x31: {  	v53 =	vshrl.u32 v3, $0x3  }
0x32: {  	v4 =	vmul.u32 $0x18, v53  }
0x33: {  	v3 =	vand.u32 $0x7, v3  }
0x34: {  	v3 =	vor.u32 v3, v4  }
0x35: {  	v4 =	vperm.xlane v3, v0;
	_ =	sdelay $0x1  }
0x36: {  	v4 =	vadd.s32 v1, v4;
	_ =	sdelay $0x1  }
0x37: {  	v3 =	vperm.xlane v3, v2;
	_ =	sdelay $0x1  }
0x38: {  	v3 =	vadd.s32 v1, v3  }
0x39: {  	[tilespmem:s11], [sflag:$0x1] =	stream.indirect_vreg.gather [hbm4b:s3+s2], $0x80, v4, vm0, $0xb8;
	[tilespmem:$0xC100] =	vst v63  }
0x3a: {  	_ = 	snop  }
0x3b: {  	[tilespmem:s12], [sflag:$0x1] =	stream.indirect_vreg.gather [hbm4b:s4+s2], $0x80, v4, vm1, $0xb8;
	[tilespmem:$0xC100] =	vst v63  }
0x3c: {  	_ = 	snop  }
0x3d: {  	[tilespmem:s13], [sflag:$0x1] =	stream.indirect_vreg.gather [hbm4b:s3+s2], $0x80, v3, vm0, $0xb8;
	[tilespmem:$0xC100] =	vst v63  }
0x3e: {  	_ = 	snop  }
0x3f: {  	[tilespmem:s14], [sflag:$0x1] =	stream.indirect_vreg.gather [hbm4b:s4+s2], $0x80, v3, vm1, $0xb8;
	[tilespmem:$0xC100] =	vst v63  }
0x40: {  	v3 =	vld [tilespmem:$0x20];
	_ =	sdelay $0x4  }
0x41: {  	v54 =	vshrl.u32 v3, $0x3  }
0x42: {  	v4 =	vmul.u32 $0x18, v54  }
0x43: {  	v3 =	vand.u32 $0x7, v3  }
0x44: {  	v3 =	vor.u32 v3, v4  }
0x45: {  	v4 =	vperm.xlane v3, v0;
	_ =	sdelay $0x1  }
0x46: {  	v4 =	vadd.s32 v1, v4;
	_ =	sdelay $0x1  }
0x47: {  	v3 =	vperm.xlane v3, v2;
	_ =	sdelay $0x1  }
0x48: {  	v3 =	vadd.s32 v1, v3  }
0x49: {  	[tilespmem:s15], [sflag:$0x1] =	stream.indirect_vreg.gather [hbm4b:s3+s2], $0x80, v4, vm0, $0xb8;
	[tilespmem:$0xC100] =	vst v63  }
0x4a: {  	_ = 	snop  }
0x4b: {  	[tilespmem:s16], [sflag:$0x1] =	stream.indirect_vreg.gather [hbm4b:s4+s2], $0x80, v4, vm1, $0xb8;
	[tilespmem:$0xC100] =	vst v63  }
0x4c: {  	_ = 	snop  }
0x4d: {  	[tilespmem:s17], [sflag:$0x1] =	stream.indirect_vreg.gather [hbm4b:s3+s2], $0x80, v3, vm0, $0xb8;
	[tilespmem:$0xC100] =	vst v63  }
0x4e: {  	_ = 	snop  }
0x4f: {  	[tilespmem:s18], [sflag:$0x1] =	stream.indirect_vreg.gather [hbm4b:s4+s2], $0x80, v3, vm1, $0xb8;
	[tilespmem:$0xC100] =	vst v63  }
0x50: {  	v3 =	vld [tilespmem:$0x30];
	_ =	sdelay $0x4  }
0x51: {  	v55 =	vshrl.u32 v3, $0x3  }
0x52: {  	v4 =	vmul.u32 $0x18, v55  }
0x53: {  	v3 =	vand.u32 $0x7, v3  }
0x54: {  	v3 =	vor.u32 v3, v4  }
0x55: {  	v4 =	vperm.xlane v3, v0;
	_ =	sdelay $0x1  }
0x56: {  	v4 =	vadd.s32 v1, v4;
	_ =	sdelay $0x1  }
0x57: {  	v3 =	vperm.xlane v3, v2;
	_ =	sdelay $0x1  }
0x58: {  	v3 =	vadd.s32 v1, v3  }
0x59: {  	[tilespmem:s19], [sflag:$0x1] =	stream.indirect_vreg.gather [hbm4b:s3+s2], $0x80, v4, vm0, $0xb8;
	[tilespmem:$0xC100] =	vst v63  }
0x5a: {  	_ = 	snop  }
0x5b: {  	[tilespmem:s20], [sflag:$0x1] =	stream.indirect_vreg.gather [hbm4b:s4+s2], $0x80, v4, vm1, $0xb8;
	[tilespmem:$0xC100] =	vst v63  }
0x5c: {  	_ = 	snop  }
0x5d: {  	[tilespmem:s21], [sflag:$0x1] =	stream.indirect_vreg.gather [hbm4b:s3+s2], $0x80, v3, vm0, $0xb8;
	[tilespmem:$0xC100] =	vst v63  }
0x5e: {  	_ = 	snop  }
0x5f: {  	[tilespmem:s22], [sflag:$0x1] =	stream.indirect_vreg.gather [hbm4b:s4+s2], $0x80, v3, vm1, $0xb8;
	[tilespmem:$0xC100] =	vst v63  }
0x60: {  	v3 =	vld [tilespmem:$0x40];
	_ =	sdelay $0x4  }
0x61: {  	v56 =	vshrl.u32 v3, $0x3  }
0x62: {  	v4 =	vmul.u32 $0x18, v56  }
0x63: {  	v3 =	vand.u32 $0x7, v3  }
0x64: {  	v3 =	vor.u32 v3, v4  }
0x65: {  	v4 =	vperm.xlane v3, v0;
	_ =	sdelay $0x1  }
0x66: {  	v4 =	vadd.s32 v1, v4;
	_ =	sdelay $0x1  }
0x67: {  	v3 =	vperm.xlane v3, v2;
	_ =	sdelay $0x1  }
0x68: {  	v3 =	vadd.s32 v1, v3  }
0x69: {  	[tilespmem:s23], [sflag:$0x2] =	stream.indirect_vreg.gather [hbm4b:s3+s2], $0x80, v4, vm0, $0xb8;
	[tilespmem:$0xC100] =	vst v63  }
0x6a: {  	s0 =	rddreg [dreg:$0x6]  }
0x6b: {  	[tilespmem:s0], [sflag:$0x2] =	stream.indirect_vreg.gather [hbm4b:s4+s2], $0x80, v4, vm1, $0xb8;
	[tilespmem:$0xC100] =	vst v63  }
0x6c: {  	s24 =	rddreg [dreg:$0x7]  }
0x6d: {  	[tilespmem:s24], [sflag:$0x2] =	stream.indirect_vreg.gather [hbm4b:s3+s2], $0x80, v3, vm0, $0xb8;
	[tilespmem:$0xC100] =	vst v63  }
0x6e: {  	s0 =	rddreg [dreg:$0x8]  }
0x6f: {  	[tilespmem:s0], [sflag:$0x2] =	stream.indirect_vreg.gather [hbm4b:s4+s2], $0x80, v3, vm1, $0xb8;
	[tilespmem:$0xC100] =	vst v63  }
0x70: {  	v3 =	vld [tilespmem:$0x50];
	_ =	sdelay $0x4  }
0x71: {  	v57 =	vshrl.u32 v3, $0x3  }
0x72: {  	v4 =	vmul.u32 $0x18, v57  }
0x73: {  	v3 =	vand.u32 $0x7, v3  }
0x74: {  	v3 =	vor.u32 v3, v4  }
0x75: {  	v4 =	vperm.xlane v3, v0;
	_ =	sdelay $0x1  }
0x76: {  	v4 =	vadd.s32 v1, v4;
	_ =	sdelay $0x1  }
0x77: {  	v3 =	vperm.xlane v3, v2;
	_ =	sdelay $0x1  }
0x78: {  	s0 =	rddreg [dreg:$0x9];
	v3 =	vadd.s32 v1, v3  }
0x79: {  	[tilespmem:s0], [sflag:$0x2] =	stream.indirect_vreg.gather [hbm4b:s3+s2], $0x80, v4, vm0, $0xb8;
	[tilespmem:$0xC100] =	vst v63  }
0x7a: {  	s24 =	rddreg [dreg:$0xa]  }
0x7b: {  	[tilespmem:s24], [sflag:$0x2] =	stream.indirect_vreg.gather [hbm4b:s4+s2], $0x80, v4, vm1, $0xb8;
	[tilespmem:$0xC100] =	vst v63  }
0x7c: {  	s0 =	rddreg [dreg:$0xb]  }
0x7d: {  	[tilespmem:s0], [sflag:$0x2] =	stream.indirect_vreg.gather [hbm4b:s3+s2], $0x80, v3, vm0, $0xb8;
	[tilespmem:$0xC100] =	vst v63  }
0x7e: {  	s24 =	rddreg [dreg:$0xc]  }
0x7f: {  	[tilespmem:s24], [sflag:$0x2] =	stream.indirect_vreg.gather [hbm4b:s4+s2], $0x80, v3, vm1, $0xb8;
	[tilespmem:$0xC100] =	vst v63  }
0x80: {  	v3 =	vld [tilespmem:$0x60];
	_ =	sdelay $0x4  }
0x81: {  	v58 =	vshrl.u32 v3, $0x3  }
0x82: {  	v4 =	vmul.u32 $0x18, v58  }
0x83: {  	v3 =	vand.u32 $0x7, v3  }
0x84: {  	v3 =	vor.u32 v3, v4  }
0x85: {  	v4 =	vperm.xlane v3, v0;
	_ =	sdelay $0x1  }
0x86: {  	v4 =	vadd.s32 v1, v4;
	_ =	sdelay $0x1  }
0x87: {  	v3 =	vperm.xlane v3, v2;
	_ =	sdelay $0x1  }
0x88: {  	s0 =	rddreg [dreg:$0xd];
	v3 =	vadd.s32 v1, v3  }
0x89: {  	[tilespmem:s0], [sflag:$0x2] =	stream.indirect_vreg.gather [hbm4b:s3+s2], $0x80, v4, vm0, $0xb8;
	[tilespmem:$0xC100] =	vst v63  }
0x8a: {  	s24 =	rddreg [dreg:$0xe]  }
0x8b: {  	[tilespmem:s24], [sflag:$0x2] =	stream.indirect_vreg.gather [hbm4b:s4+s2], $0x80, v4, vm1, $0xb8;
	[tilespmem:$0xC100] =	vst v63  }
0x8c: {  	s0 =	rddreg [dreg:$0xf]  }
0x8d: {  	[tilespmem:s0], [sflag:$0x2] =	stream.indirect_vreg.gather [hbm4b:s3+s2], $0x80, v3, vm0, $0xb8;
	[tilespmem:$0xC100] =	vst v63  }
0x8e: {  	s24 =	rddreg [dreg:$0x10]  }
0x8f: {  	[tilespmem:s24], [sflag:$0x2] =	stream.indirect_vreg.gather [hbm4b:s4+s2], $0x80, v3, vm1, $0xb8;
	[tilespmem:$0xC100] =	vst v63  }
0x90: {  	v3 =	vld [tilespmem:$0x70];
	_ =	sdelay $0x4  }
0x91: {  	v59 =	vshrl.u32 v3, $0x3  }
0x92: {  	v4 =	vmul.u32 $0x18, v59  }
0x93: {  	v3 =	vand.u32 $0x7, v3  }
0x94: {  	v3 =	vor.u32 v3, v4  }
0x95: {  	v4 =	vperm.xlane v3, v0;
	_ =	sdelay $0x1  }
0x96: {  	v4 =	vadd.s32 v1, v4;
	_ =	sdelay $0x1  }
0x97: {  	v3 =	vperm.xlane v3, v2;
	_ =	sdelay $0x1  }
0x98: {  	s24 =	simm.s32 $0xA900;
	v3 =	vadd.s32 v1, v3  }
0x99: {  	[tilespmem:s24], [sflag:$0x2] =	stream.indirect_vreg.gather [hbm4b:s3+s2], $0x80, v4, vm0, $0xb8;
	[tilespmem:$0xC100] =	vst v63  }
0x9a: {  	_ = 	snop  }
0x9b: {  	[tilespmem:s25], [sflag:$0x2] =	stream.indirect_vreg.gather [hbm4b:s4+s2], $0x80, v4, vm1, $0xb8;
	[tilespmem:$0xC100] =	vst v63  }
0x9c: {  	_ = 	snop  }
0x9d: {  	[tilespmem:s26], [sflag:$0x2] =	stream.indirect_vreg.gather [hbm4b:s3+s2], $0x80, v3, vm0, $0xb8;
	[tilespmem:$0xC100] =	vst v63  }
0x9e: {  	_ = 	snop  }
0x9f: {  	[tilespmem:s28], [sflag:$0x2] =	stream.indirect_vreg.gather [hbm4b:s4+s2], $0x80, v3, vm1, $0xb8;
	[tilespmem:$0xC100] =	vst v63  }
0xa0: {  	_ =	swait.ge [sflag:s29], $0x6000  }
0xa1: {  	[sflag:s29] =	ssyncset.done $0x0  }
0xa2: {  	s24 =	rddreg [dreg:$0x3];
	[sflag:s29] =	ssyncadd.s32 $0xFFFFA000  }
0xa3: {  	[hbm4b:s24+s2] =	stream.linear.scatter [tilespmem:s7], [sflag:$0x3], $0x6000, $0x38;
	[tilespmem:$0xC100] =	vst v63  }
0xa4: {  	_ =	swait.ge [sflag:s30], $0x6000  }
0xa5: {  	[sflag:s30] =	ssyncset.done $0x0  }
0xa6: {  	[sflag:s30] =	ssyncadd.s32 $0xFFFFA000  }
0xa7: {  	v3 =	vld [tilespmem:$0x80];
	_ =	sdelay $0x4  }
0xa8: {  	v60 =	vshrl.u32 v3, $0x3  }
0xa9: {  	v4 =	vmul.u32 $0x18, v60  }
0xaa: {  	v3 =	vand.u32 $0x7, v3  }
0xab: {  	v3 =	vor.u32 v3, v4  }
0xac: {  	v4 =	vperm.xlane v3, v0;
	_ =	sdelay $0x1  }
0xad: {  	v4 =	vadd.s32 v1, v4;
	_ =	sdelay $0x1  }
0xae: {  	v3 =	vperm.xlane v3, v2;
	_ =	sdelay $0x1  }
0xaf: {  	v3 =	vadd.s32 v1, v3  }
0xb0: {  	[tilespmem:s7], [sflag:$0x1] =	stream.indirect_vreg.gather [hbm4b:s3+s2], $0x80, v4, vm0, $0xb8;
	[tilespmem:$0xC100] =	vst v63  }
0xb1: {  	_ = 	snop  }
0xb2: {  	[tilespmem:s8], [sflag:$0x1] =	stream.indirect_vreg.gather [hbm4b:s4+s2], $0x80, v4, vm1, $0xb8;
	[tilespmem:$0xC100] =	vst v63  }
0xb3: {  	_ = 	snop  }
0xb4: {  	[tilespmem:s9], [sflag:$0x1] =	stream.indirect_vreg.gather [hbm4b:s3+s2], $0x80, v3, vm0, $0xb8;
	[tilespmem:$0xC100] =	vst v63  }
0xb5: {  	_ = 	snop  }
0xb6: {  	[tilespmem:s10], [sflag:$0x1] =	stream.indirect_vreg.gather [hbm4b:s4+s2], $0x80, v3, vm1, $0xb8;
	[tilespmem:$0xC100] =	vst v63  }
0xb7: {  	v3 =	vld [tilespmem:$0x90];
	_ =	sdelay $0x4  }
0xb8: {  	v61 =	vshrl.u32 v3, $0x3  }
0xb9: {  	v4 =	vmul.u32 $0x18, v61  }
0xba: {  	v3 =	vand.u32 $0x7, v3  }
0xbb: {  	v3 =	vor.u32 v3, v4  }
0xbc: {  	v4 =	vperm.xlane v3, v0;
	_ =	sdelay $0x1  }
0xbd: {  	v4 =	vadd.s32 v1, v4;
	_ =	sdelay $0x1  }
0xbe: {  	v3 =	vperm.xlane v3, v2;
	_ =	sdelay $0x1  }
0xbf: {  	v3 =	vadd.s32 v1, v3  }
0xc0: {  	[tilespmem:s11], [sflag:$0x1] =	stream.indirect_vreg.gather [hbm4b:s3+s2], $0x80, v4, vm0, $0xb8;
	[tilespmem:$0xC100] =	vst v63  }
0xc1: {  	_ = 	snop  }
0xc2: {  	[tilespmem:s12], [sflag:$0x1] =	stream.indirect_vreg.gather [hbm4b:s4+s2], $0x80, v4, vm1, $0xb8;
	[tilespmem:$0xC100] =	vst v63  }
0xc3: {  	_ = 	snop  }
0xc4: {  	[tilespmem:s13], [sflag:$0x1] =	stream.indirect_vreg.gather [hbm4b:s3+s2], $0x80, v3, vm0, $0xb8;
	[tilespmem:$0xC100] =	vst v63  }
0xc5: {  	_ = 	snop  }
0xc6: {  	[tilespmem:s14], [sflag:$0x1] =	stream.indirect_vreg.gather [hbm4b:s4+s2], $0x80, v3, vm1, $0xb8;
	[tilespmem:$0xC100] =	vst v63  }
0xc7: {  	v3 =	vld [tilespmem:$0xA0];
	_ =	sdelay $0x4  }
0xc8: {  	v62 =	vshrl.u32 v3, $0x3  }
0xc9: {  	v4 =	vmul.u32 $0x18, v62  }
0xca: {  	v3 =	vand.u32 $0x7, v3  }
0xcb: {  	v3 =	vor.u32 v3, v4  }
0xcc: {  	v4 =	vperm.xlane v3, v0;
	_ =	sdelay $0x1  }
0xcd: {  	v4 =	vadd.s32 v1, v4;
	_ =	sdelay $0x1  }
0xce: {  	v3 =	vperm.xlane v3, v2;
	_ =	sdelay $0x1  }
0xcf: {  	v3 =	vadd.s32 v1, v3  }
0xd0: {  	[tilespmem:s15], [sflag:$0x1] =	stream.indirect_vreg.gather [hbm4b:s3+s2], $0x80, v4, vm0, $0xb8;
	[tilespmem:$0xC100] =	vst v63  }
0xd1: {  	_ = 	snop  }
0xd2: {  	[tilespmem:s16], [sflag:$0x1] =	stream.indirect_vreg.gather [hbm4b:s4+s2], $0x80, v4, vm1, $0xb8;
	[tilespmem:$0xC100] =	vst v63  }
0xd3: {  	_ = 	snop  }
0xd4: {  	[tilespmem:s17], [sflag:$0x1] =	stream.indirect_vreg.gather [hbm4b:s3+s2], $0x80, v3, vm0, $0xb8;
	[tilespmem:$0xC100] =	vst v63  }
0xd5: {  	_ = 	snop  }
0xd6: {  	[tilespmem:s18], [sflag:$0x1] =	stream.indirect_vreg.gather [hbm4b:s4+s2], $0x80, v3, vm1, $0xb8;
	[tilespmem:$0xC100] =	vst v63  }
0xd7: {  	v3 =	vld [tilespmem:$0xB0];
	_ =	sdelay $0x4  }
0xd8: {  	v63 =	vshrl.u32 v3, $0x3  }
0xd9: {  	v4 =	vmul.u32 $0x18, v63  }
0xda: {  	v3 =	vand.u32 $0x7, v3  }
0xdb: {  	v3 =	vor.u32 v3, v4  }
0xdc: {  	v4 =	vperm.xlane v3, v0;
	_ =	sdelay $0x1  }
0xdd: {  	v4 =	vadd.s32 v1, v4;
	_ =	sdelay $0x1  }
0xde: {  	v3 =	vperm.xlane v3, v2;
	_ =	sdelay $0x1  }
0xdf: {  	v3 =	vadd.s32 v1, v3  }
0xe0: {  	[tilespmem:s19], [sflag:$0x1] =	stream.indirect_vreg.gather [hbm4b:s3+s2], $0x80, v4, vm0, $0xb8;
	[tilespmem:$0xC100] =	vst v63  }
0xe1: {  	_ = 	snop  }
0xe2: {  	[tilespmem:s20], [sflag:$0x1] =	stream.indirect_vreg.gather [hbm4b:s4+s2], $0x80, v4, vm1, $0xb8;
	[tilespmem:$0xC100] =	vst v63  }
0xe3: {  	_ = 	snop  }
0xe4: {  	[tilespmem:s21], [sflag:$0x1] =	stream.indirect_vreg.gather [hbm4b:s3+s2], $0x80, v3, vm0, $0xb8;
	[tilespmem:$0xC100] =	vst v63  }
0xe5: {  	_ = 	snop  }
0xe6: {  	[tilespmem:s22], [sflag:$0x1] =	stream.indirect_vreg.gather [hbm4b:s4+s2], $0x80, v3, vm1, $0xb8;
	[tilespmem:$0xC100] =	vst v63  }
0xe7: {  	_ =	swait.ge [sflag:s31], $0x6000  }
0xe8: {  	[sflag:s31] =	ssyncset.done $0x0  }
0xe9: {  	s24 =	rddreg [dreg:$0x4];
	[sflag:s31] =	ssyncadd.s32 $0xFFFFA000  }
0xea: {  	[hbm4b:s24+s2] =	stream.linear.scatter [tilespmem:s23], [sflag:$0x4], $0x6000, $0x38;
	[tilespmem:$0xC100] =	vst v63  }
0xeb: {  	_ =	swait.ge [sflag:s29], $0x6000  }
0xec: {  	[sflag:s29] =	ssyncset.done $0x0  }
0xed: {  	s24 =	rddreg [dreg:$0x5];
	[sflag:s29] =	ssyncadd.s32 $0xFFFFA000  }
0xee: {  	[hbm4b:s24+s2] =	stream.linear.scatter [tilespmem:s7], [sflag:$0x3], $0x6000, $0x38;
	[tilespmem:$0xC100] =	vst v63  }
0xef: {  	p0 =	sne.s32 s5, $0x1;
	_ =	swait.ge [sflag:s1], $0x6000  }
.Ltmp0:
0xf0: {  	[sflag:s1] =	ssyncset.done $0x0;
	(pc) =	sbr.rel @p0 .LBB2_1-.Ltmp0, $4  }
0xf1: {  	[sflag:s1] =	ssyncadd.s32 $0xFFFFA000  }
0xf2: {  	_ =	swait.ge [sflag:s30], $0x6000  }
0xf3: {  	[sflag:s30] =	ssyncset.done $0x0  }
0xf4: {  	s5 =	sadd.s32 $0xFFFFFFFF, s5;
	[sflag:s30] =	ssyncadd.s32 $0xFFFFA000  }
0xf5: {  	_ =	sfence.sel $0x180000  }
0xf6: {  	[bflag:$0x0] =	sbarrier.arrive $0xFFFF  }
0xf7: {  	_ =	strace $0x9000004A  }
0xf8: {  	s0 =	stileid.u32;
	[bflag:$0x2] =	sbarrier.arrive $0xFFFF  }
0xf9: {  	p0 =	sne.s32 s0, $0x0;
	s0 =	rddreg [dreg:$0x1]  }
0xfa: {  	s0 =	sadd.s32 @!p0 $0x100000, s0  }
0xfb: {  	[sflag:s0] =	ssyncadd.tile.s32 @!p0 $0x1;
	_ =	shalt  }
.Lfunc_end2:
_tile_overlayer_lowered:
.L_overlay_start_2:
0xfc: {  	(tag) =	ssettag $0x2  }
0xfd: {  	s0 =	rddreg [dreg:$0x0];
	s2 =	stileid.u32  }
0xfe: {  	s1 =	rddreg [dreg:$0x1];
	p0 =	sne.s32 s2, $0x0  }
0xff: {  	s3 =	rddreg [dreg:$0x2];
	[bflag:$0x3] =	sbarrier.arrive $0xFFFF;
	s2 =	simm.s32 @!p0 $0x1C05  }
0x100: {  	[timem:s3], [sflag:s2] =	dma.local @!p0 [hbm:s0], s1  }
0x101: {  	s0 =	simm.s32 @!p0 $0x5  }
0x102: {  	_ =	swait.ge @!p0 [sflag:s0], s1  }
0x103: {  	s1 =	ssub.s32 @!p0 $0x0, s1;
	[sflag:s0] =	ssyncset.done @!p0 $0x0  }
0x104: {  	[sflag:s0] =	ssyncadd.s32 @!p0 s1  }
0x105: {  	[bflag:$0x3] =	sbarrier.arrive $0xFFFF  }
0x106: {  	_ =	shalt  }

// kernel: kernel.16.cloned.1.call-start
scs
__scs_entry_jumppad:
0x0: {  	(pc) =	sbr.rel $0x88, $3  }
0x1: {  	(tag) =	ssettag $0x0;
	lr =	simm.s32 $0x1  }
0x2: {  	[smem:$0x3F95] =	sst lr;
	_ =	strace $0xD0000000  }
0x3: {  	_ = 	snop  }
0x4: {  	_ = 	snop  }
0x5: {  	_ = 	snop  }
0x6: {  	_ = 	snop  }
0x7: {  	_ = 	snop  }
__scs_overlays_trampoline_lowered:
0x8: {  	[smem:$0x3FA4] =	sst s0  }
0x9: {  	[smem:$0x3FA5] =	sst s1  }
0xa: {  	[smem:$0x3FA6] =	sst s2  }
0xb: {  	[smem:$0x3FA7] =	sst s3  }
0xc: {  	[smem:$0x3FA8] =	sst s4  }
0xd: {  	[smem:$0x3FA9] =	sst s5  }
0xe: {  	[smem:$0x3FAA] =	sst s6  }
0xf: {  	[smem:$0x3FAB] =	sst s7  }
0x10: {  	[smem:$0x3FAC] =	sst s8  }
0x11: {  	[smem:$0x3FAD] =	sst s9;
	s0 =	simm.s32 @!p0 $0x0  }
0x12: {  	s1 =	sld [smem:$0x3F93];
	s0 =	simm.s32 @p0 $0x1  }
0x13: {  	[smem:$0x3FAE] =	sst s0;
	s0 =	simm.s32 @!p1 $0x0  }
0x14: {  	s2 =	sld [smem:$0x3F92];
	s0 =	simm.s32 @p1 $0x1  }
0x15: {  	[smem:$0x3FAF] =	sst s0;
	s0 =	simm.s32 @!p2 $0x0  }
0x16: {  	s3 =	sld [smem:$0x3FDB];
	s0 =	simm.s32 @p2 $0x1  }
0x17: {  	s4 =	simm.s32 $0x1BF5;
	[smem:$0x3FB1] =	sst s0  }
0x18: {  	s0 =	sld [smem:$0x3F94];
	_ =	swait.ge [sflag:s4], $0x0  }
0x19: {  	s7 =	sld [smem:$0x3F95]  }
0x1a: {  	s8 =	sadd.s32 $0xFFFFE003, lr  }
0x1b: {  	s9 =	sadd.s32 $0xFFFFFEF7, lr;
	s5 =	simm.s32 $0xFFFFFFFF;
	p2 =	slt.u32 s8, $0xFFFFF086  }
0x1c: {  	p1 =	slt.u32 s9, $0xF7A;
	s5 =	simm.s32 @!p2 $0x0  }
0x1d: {  	s5 =	simm.s32 @p1 $0x1;
	p0 =	seq.s32 s7, s2  }
0x1e: {  	s7 =	smul.u32 @!p0 $0xF7A, s2;
	p2 =	seq.s32 @!p0 s5, $0x0  }
0x1f: {  	s9 =	smul.u32 $0xF7A, s1;
	s8 =	simm.s32 @!p0 $0x1BF5;
	p2 =	por !p2, p0  }
0x20: {  	[sflag:s8] =	ssyncset.s32 @!p0 $0xFFFFF086;
	s6 =	sadd.s32 @!p0 s3, s7;
	s7 =	simm.s32 @!p0 $0x108  }
0x21: {  	s3 =	sadd.s32 s3, s9;
	s6 =	sadd.s32 @!p0 $0x88, s6;
	s7 =	simm.s32 @p2 $0x1082  }
0x22: {  	[simem:s7], [sflag:s8] =	dma.local @!p0 [hbm:s6], $0xF7A  }
0x23: {  	s9 =	sor.u32 $0xD0000000, s2;
	s6 =	simm.s32 $0x108;
	_ =	swait.ge @!p0 [sflag:s8], $0x0  }
0x24: {  	s3 =	sadd.s32 $0x88, s3;
	s6 =	simm.s32 @!p1 $0x1082;
	[sflag:s4] =	ssyncset.s32 $0xFFFFF086  }
0x25: {  	[simem:s6], [sflag:s4] =	dma.local [hbm:s3], $0xF7A  }
0x26: {  	[smem:$0x3F95] =	sst s1;
	(tag) =	ssettag s2;
	_ =	strace s9  }
0x27: {  	s1 =	sld [smem:$0x3FA5]  }
0x28: {  	s2 =	sld [smem:$0x3FA6]  }
0x29: {  	s4 =	sld [smem:$0x3FA8]  }
0x2a: {  	p0 =	seq.s32 s5, $0x0;
	s5 =	sld [smem:$0x3FA9]  }
0x2b: {  	s6 =	sld [smem:$0x3FAA]  }
0x2c: {  	s7 =	sld [smem:$0x3FAB]  }
0x2d: {  	s3 =	simm.s32 $0x108;
	s8 =	sld [smem:$0x3FAC]  }
0x2e: {  	s3 =	simm.s32 @!p0 $0x1082;
	s9 =	sld [smem:$0x3FAD]  }
0x2f: {  	lr =	sadd.s32 s0, s3;
	s0 =	sld [smem:$0x3FA4]  }
0x30: {  	s3 =	sld [smem:$0x3FA7]  }
0x31: {  	[smem:$0x3FB0] =	sst s10  }
0x32: {  	s10 =	sld [smem:$0x3FAE];
	_ =	sdelay $0x3  }
0x33: {  	p0 =	seq.s32 s10, $0x1;
	s10 =	sld [smem:$0x3FB0];
	_ =	sdelay $0x3  }
0x34: {  	[smem:$0x3FB0] =	sst s10  }
0x35: {  	s10 =	sld [smem:$0x3FAF];
	_ =	sdelay $0x3  }
0x36: {  	p1 =	seq.s32 s10, $0x1;
	s10 =	sld [smem:$0x3FB0];
	_ =	sdelay $0x3  }
0x37: {  	[smem:$0x3FB0] =	sst s10  }
0x38: {  	s10 =	sld [smem:$0x3FB1]  }
0x39: {  	_ = 	snop;
	(pc) =	sbr.ind lr, $3  }
0x3a: {  	_ = 	snop  }
0x3b: {  	_ = 	snop  }
0x3c: {  	p2 =	seq.s32 s10, $0x1;
	s10 =	sld [smem:$0x3FB0]  }
0x3d: {  	_ =	shalt  }
0x3e: {  	_ =	shalt  }
0x3f: {  	_ =	shalt  }
0x40: {  	_ =	shalt  }
0x41: {  	_ =	shalt  }
0x42: {  	_ =	shalt  }
0x43: {  	_ =	shalt  }
0x44: {  	_ =	shalt  }
0x45: {  	_ =	shalt  }
0x46: {  	_ =	shalt  }
0x47: {  	_ =	shalt  }
0x48: {  	_ =	shalt  }
0x49: {  	_ =	shalt  }
0x4a: {  	_ =	shalt  }
0x4b: {  	_ =	shalt  }
0x4c: {  	_ =	shalt  }
0x4d: {  	_ =	shalt  }
0x4e: {  	_ =	shalt  }
0x4f: {  	_ =	shalt  }
0x50: {  	_ =	shalt  }
0x51: {  	_ =	shalt  }
0x52: {  	_ =	shalt  }
0x53: {  	_ =	shalt  }
0x54: {  	_ =	shalt  }
0x55: {  	_ =	shalt  }
0x56: {  	_ =	shalt  }
0x57: {  	_ =	shalt  }
0x58: {  	_ =	shalt  }
0x59: {  	_ =	shalt  }
0x5a: {  	_ =	shalt  }
0x5b: {  	_ =	shalt  }
0x5c: {  	_ =	shalt  }
0x5d: {  	_ =	shalt  }
0x5e: {  	_ =	shalt  }
0x5f: {  	_ =	shalt  }
0x60: {  	_ =	shalt  }
0x61: {  	_ =	shalt  }
0x62: {  	_ =	shalt  }
0x63: {  	_ =	shalt  }
0x64: {  	_ =	shalt  }
0x65: {  	_ =	shalt  }
0x66: {  	_ =	shalt  }
0x67: {  	_ =	shalt  }
0x68: {  	_ =	shalt  }
0x69: {  	_ =	shalt  }
0x6a: {  	_ =	shalt  }
0x6b: {  	_ =	shalt  }
0x6c: {  	_ =	shalt  }
0x6d: {  	_ =	shalt  }
0x6e: {  	_ =	shalt  }
0x6f: {  	_ =	shalt  }
0x70: {  	_ =	shalt  }
0x71: {  	_ =	shalt  }
0x72: {  	_ =	shalt  }
0x73: {  	_ =	shalt  }
0x74: {  	_ =	shalt  }
0x75: {  	_ =	shalt  }
0x76: {  	_ =	shalt  }
0x77: {  	_ =	shalt  }
0x78: {  	_ =	shalt  }
0x79: {  	_ =	shalt  }
0x7a: {  	_ =	shalt  }
0x7b: {  	_ =	shalt  }
0x7c: {  	_ =	shalt  }
0x7d: {  	_ =	shalt  }
0x7e: {  	_ =	shalt  }
0x7f: {  	_ =	shalt  }
0x80: {  	_ =	shalt  }
0x81: {  	_ =	shalt  }
0x82: {  	_ =	shalt  }
0x83: {  	_ =	shalt  }
0x84: {  	_ =	shalt  }
0x85: {  	_ =	shalt  }
0x86: {  	_ =	shalt  }
0x87: {  	_ =	shalt  }
.Lfunc_end0:
.L_simem_size_0:
called_computation.2_lowered:
.L_overlay_start_0:
0x88: {  	s2 =	sld [smem:$0x3FD9]  }
0x89: {  	s3 =	sld [smem:$0x3FFE];
	_ =	sdelay $0x1  }
0x8a: {  	s1 =	srdreg.scid  }
0x8b: {  	s0 =	sand.u32 $0x1, s1  }
0x8c: {  	s16 =	sshll.u32 s0, $0xA;
	s2 =	sadd.s32 s3, s2  }
0x8d: {  	s2 =	sadd.s32 s2, s16  }
0x8e: {  	[smem:$0x3FBC] =	sst s2  }
0x8f: {  	_ = 	snop  }
0x90: {  	(tm) =	ssettm $0x1  }
0x91: {  	s17 =	sld [smem:$0x3FFB];
	_ =	sdelay $0x3  }
0x92: {  	_ =	strace s17  }
0x93: {  	s2 =	sld [smem:$0x3FFC];
	_ =	sdelay $0x3  }
0x94: {  	_ =	strace s2  }
0x95: {  	s2 =	sld [smem:$0x3FFD];
	_ =	sdelay $0x3  }
0x96: {  	_ =	strace s2  }
0x97: {  	_ =	strace $0x8FFFFFFF  }
0x98: {  	s18 =	sld [smem:$0x3FDB];
	_ =	sdelay $0x1  }
0x99: {  	s19 =	simm.s32 $_scs_section_size  }
0x9a: {  	s4 =	simm.s32 $_size__tile_overlayer_lowered;
	s5 =	simm.s32 $_tile_overlayer_lowered  }
0x9b: {  	s22 =	simm.s32 $0x1BFF;
	s21 =	sshll.u32 s5, $0x1;
	s2 =	sadd.s32 s19, s18  }
0x9c: {  	s6 =	simm.s32 $0x0;
	s20 =	sshll.u32 s4, $0x1;
	s4 =	sadd.s32 s21, s2  }
0x9d: {  	[timem:s6], [sflag:s22] =	dma.local [hbm:s4], s20  }
0x9e: {  	_ =	swait.ge [sflag:s22], s20  }
0x9f: {  	s3 =	ssub.s32 $0x0, s20;
	[sflag:s22] =	ssyncset.done $0x0  }
0xa0: {  	[sflag:s22] =	ssyncadd.s32 s3;
	_ =	sdelay $0x1  }
0xa1: {  	s23 =	simm.s32 $0x1B8B  }
0xa2: {  	_ =	swait.ge [sflag:s23], $0x1  }
0xa3: {  	[sflag:s23] =	ssyncset.done $0x0  }
0xa4: {  	s25 =	simm.s32 $0x1B8E;
	s24 =	sld [smem:$0x3FFE];
	[sflag:s23] =	ssyncadd.s32 $0xFFFFFFFF  }
0xa5: {  	s26 =	simm.s32 $execute0_lowered;
	[smem:$0x3FD2] =	sst s25  }
0xa6: {  	s4 =	sshll.u32 s26, $0x1;
	_ =	strace $0x8000004C;
	[dreg:$0x1] =	wrdreg $0xFFFFFFFF  }
0xa7: {  	s28 =	simm.s32 $_size_execute0_lowered;
	s2 =	sadd.s32 s2, s4;
	[dreg:$0x0] =	wrdreg $0x0  }
0xa8: {  	s4 =	sshll.u32 s28, $0x1;
	[dreg:$0x2] =	wrdreg s2  }
0xa9: {  	[dreg:$0x3] =	wrdreg s4  }
0xaa: {  	[dreg:$0x4] =	wrdreg $0xC0  }
0xab: {  	_ =	task [dreg:s6], $0x5FFFF  }
0xac: {  	[dreg:$0x1] =	wrdreg $0xFFFFFFFF  }
0xad: {  	[dreg:$0x0] =	wrdreg $0x60  }
0xae: {  	[dreg:$0x2] =	wrdreg s24  }
0xaf: {  	[dreg:$0x3] =	wrdreg $0x9  }
0xb0: {  	_ =	task.clear_ibuf [dreg:s6], $0x4FFFF;
	_ =	strace $0x9000004C  }
0xb1: {  	s29 =	simm.s32 $0x9;
	_ =	strace $0x8000004E  }
0xb2: {  	_ =	swait.ge [sflag:s29], $0x1  }
0xb3: {  	[sflag:s29] =	ssyncadd.s32 $0xFFFFFFFF  }
0xb4: {  	_ =	strace $0x9000004E  }
0xb5: {  	_ =	sfence  }
0xb6: {  	s30 =	sld [smem:$0x0];
	_ =	sdelay $0x2  }
0xb7: {  	s31 =	sshll.u32 s1, $0xD;
	s1 =	sshrl.u32 s1, $0x2  }
0xb8: {  	s3 =	sand.u32 $0x4000, s31;
	s1 =	sadd.s32 s1, s30  }
0xb9: {  	s0 =	sor.u32 s3, s0;
	s1 =	sshll.u32 s1, $0x11  }
0xba: {  	s0 =	sor.u32 s1, s0  }
0xbb: {  	s0 =	sadd.s32 $0x8F2B, s0  }
0xbc: {  	[sflag:s0] =	ssyncadd.remote.s32 $0x1  }
0xbd: {  	_ =	sfence.sel $0xFFFF  }
0xbe: {  	[dreg:$0x0] =	wrdreg $0xFFFFFFFF;
	(pc) =	sbr.abs _section_cstart, $3  }
0xbf: {  	[dreg:$0x1] =	wrdreg $0xFFFFFFFF  }
0xc0: {  	_ =	task.clear_ibuf [dreg:s6], $0x2FFFF;
	_ =	strace $0x9FFFFFFF  }
0xc1: {  	(tm) =	ssettm $0x7FFFFFFF  }
tec
execute0_lowered:
.L_overlay_start_1:
0x0: {  	(tag) =	ssettag $0x1  }
0x1: {  	s1 =	srdreg.scid  }
0x2: {  	s0 =	stileid.u32;
	s4 =	rddreg [dreg:$0x0];
	s2 =	simm.s32 $0x0  }
0x3: {  	s14 =	simm.s32 $0x80;
	s15 =	simm.s32 $0x900;
	[smem:$0x7FF] =	sst s2  }
0x4: {  	s16 =	simm.s32 $0xD00;
	_ =	strace $0x8000004D;
	[dreg:$0x6] =	wrdreg s14  }
0x5: {  	s17 =	simm.s32 $0x1500;
	s18 =	simm.s32 $0x1900;
	[dreg:$0x7] =	wrdreg s15  }
0x6: {  	s19 =	simm.s32 $0x2100;
	s20 =	simm.s32 $0x2500;
	[dreg:$0x8] =	wrdreg s16  }
0x7: {  	s21 =	simm.s32 $0x2D00;
	s23 =	simm.s32 $0x3100;
	[dreg:$0x9] =	wrdreg s17  }
0x8: {  	s24 =	simm.s32 $0x3900;
	s25 =	simm.s32 $0x3D00;
	[dreg:$0xa] =	wrdreg s18  }
0x9: {  	s26 =	simm.s32 $0x4500;
	s7 =	simm.s32 $0x100;
	[dreg:$0xb] =	wrdreg s19  }
0xa: {  	s9 =	simm.s32 $0x5100;
	s10 =	simm.s32 $0x5500;
	[dreg:$0xc] =	wrdreg s20  }
0xb: {  	s11 =	simm.s32 $0x5D00;
	s12 =	simm.s32 $0x6100;
	[dreg:$0xd] =	wrdreg s21  }
0xc: {  	s28 =	simm.s32 $0xBD00;
	s29 =	simm.s32 $0x1;
	[dreg:$0xe] =	wrdreg s23  }
0xd: {  	s30 =	simm.s32 $0x2;
	s31 =	simm.s32 $0x3;
	[dreg:$0xf] =	wrdreg s24  }
0xe: {  	s1 =	sand.u32 $0x1, s1;
	s3 =	sshll.u32 s0, $0x4;
	[dreg:$0x10] =	wrdreg s25  }
0xf: {  	s5 =	sshll.u32 s1, $0x3;
	s1 =	ssub.s32 $0x2, s1;
	[dreg:$0x11] =	wrdreg s26  }
0x10: {  	s14 =	simm.s32 $0x6D00;
	s15 =	simm.s32 $0x7500;
	s16 =	simm.s32 $0x7900  }
0x11: {  	s17 =	simm.s32 $0x8100;
	s18 =	simm.s32 $0x8500;
	s19 =	simm.s32 $0x8D00  }
0x12: {  	s20 =	simm.s32 $0x9100;
	s21 =	simm.s32 $0x9900;
	s23 =	simm.s32 $0xA500  }
0x13: {  	s24 =	simm.s32 $0xA900;
	s25 =	simm.s32 $0xB100;
	s3 =	sor.u32 s5, s3  }
0x14: {  	s22 =	sshrl.u32 s1, $0x1;
	s5 =	sadd.s32 s3, s4;
	s3 =	smul.u32 $0x180, s3  }
0x15: {  	s26 =	simm.s32 $0xB500;
	s1 =	ssub.s32 s1, s22;
	s6 =	sadd.s32 $0x11E00, s5  }
0x16: {  	s5 =	sadd.s32 $0x12000, s5;
	s3 =	sadd.s32 s3, s4;
	[dreg:$0x2] =	wrdreg s6  }
0x17: {  	s22 =	simm.s32 $0x9D00;
	[dreg:$0x3] =	wrdreg s5;
	s13 =	sadd.s32 $0x72200, s3  }
0x18: {  	v2 =	vlaneseq.u32;
	s5 =	smax.u32 s1, $0x1;
	s3 =	sadd.s32 $0x5A200, s3;
	[dreg:$0x4] =	wrdreg s13  }
0x19: {  	vm0 =	vmmov $0xffff;
	vm1 =	vmmov $0xff;
	v1 =	vshrl.u32 v2, $0x3;
	s6 =	simm.s32 $0x5;
	s1 =	simm.s32 $0x4;
	[dreg:$0x5] =	wrdreg s3  }
0x1a: {  	v0 =	vand.u32 $0x7, v2;
	v2 =	vor.u32 $0x8, v2;
	v1 =	vmul.u32 $0x8, v1;
	s3 =	sadd.s32 $0x12200, s4;
	s4 =	sadd.s32 $0x12300, s4;
	s13 =	simm.s32 $0x6900  }
.LBB2_1:
0x1b: {  	s0 =	rddreg [dreg:$0x2]  }
0x1c: {  	[tilespmem:s2], [sflag:$0x5] =	stream.linear.gather [hbm4b:s0+s2], $0x40, $0x38;
	[tilespmem:$0xC100] =	vst v63  }
0x1d: {  	_ =	swait.ge [sflag:s6], $0x40  }
0x1e: {  	s0 =	rddreg [dreg:$0x3];
	[sflag:s6] =	ssyncset.done $0x0  }
0x1f: {  	s8 =	rddreg [dreg:$0x6];
	[sflag:s6] =	ssyncadd.s32 $0xFFFFFFC0  }
0x20: {  	[tilespmem:s8], [sflag:$0x5] =	stream.linear.gather [hbm4b:s0+s2], $0x40, $0x38;
	[tilespmem:$0xC100] =	vst v63  }
0x21: {  	_ =	swait.ge [sflag:s6], $0x40  }
0x22: {  	[sflag:s6] =	ssyncset.done $0x0  }
0x23: {  	[sflag:s6] =	ssyncadd.s32 $0xFFFFFFC0  }
0x24: {  	v3 =	vld [tilespmem:$0x0];
	_ =	sdelay $0x4  }
0x25: {  	v4 =	vshrl.u32 v3, $0x3  }
0x26: {  	v4 =	vmul.u32 $0x18, v4  }
0x27: {  	v3 =	vand.u32 $0x7, v3  }
0x28: {  	v3 =	vor.u32 v3, v4  }
0x29: {  	v4 =	vperm.xlane v3, v0;
	_ =	sdelay $0x1  }
0x2a: {  	v4 =	vadd.s32 v1, v4;
	_ =	sdelay $0x1  }
0x2b: {  	v3 =	vperm.xlane v3, v2;
	_ =	sdelay $0x1  }
0x2c: {  	v3 =	vadd.s32 v1, v3  }
0x2d: {  	[tilespmem:s7], [sflag:$0x1] =	stream.indirect_vreg.gather [hbm4b:s3+s2], $0x80, v4, vm0, $0xb8;
	[tilespmem:$0xC100] =	vst v63  }
0x2e: {  	s0 =	rddreg [dreg:$0x7]  }
0x2f: {  	[tilespmem:s0], [sflag:$0x1] =	stream.indirect_vreg.gather [hbm4b:s4+s2], $0x80, v4, vm1, $0xb8;
	[tilespmem:$0xC100] =	vst v63  }
0x30: {  	s8 =	rddreg [dreg:$0x8]  }
0x31: {  	[tilespmem:s8], [sflag:$0x1] =	stream.indirect_vreg.gather [hbm4b:s3+s2], $0x80, v3, vm0, $0xb8;
	[tilespmem:$0xC100] =	vst v63  }
0x32: {  	s0 =	rddreg [dreg:$0x9]  }
0x33: {  	[tilespmem:s0], [sflag:$0x1] =	stream.indirect_vreg.gather [hbm4b:s4+s2], $0x80, v3, vm1, $0xb8;
	[tilespmem:$0xC100] =	vst v63  }
0x34: {  	v3 =	vld [tilespmem:$0x10];
	_ =	sdelay $0x4  }
0x35: {  	v57 =	vshrl.u32 v3, $0x3  }
0x36: {  	v4 =	vmul.u32 $0x18, v57  }
0x37: {  	v3 =	vand.u32 $0x7, v3  }
0x38: {  	v3 =	vor.u32 v3, v4  }
0x39: {  	v4 =	vperm.xlane v3, v0;
	_ =	sdelay $0x1  }
0x3a: {  	v4 =	vadd.s32 v1, v4;
	_ =	sdelay $0x1  }
0x3b: {  	v3 =	vperm.xlane v3, v2;
	_ =	sdelay $0x1  }
0x3c: {  	s0 =	rddreg [dreg:$0xa];
	v3 =	vadd.s32 v1, v3  }
0x3d: {  	[tilespmem:s0], [sflag:$0x1] =	stream.indirect_vreg.gather [hbm4b:s3+s2], $0x80, v4, vm0, $0xb8;
	[tilespmem:$0xC100] =	vst v63  }
0x3e: {  	s8 =	rddreg [dreg:$0xb]  }
0x3f: {  	[tilespmem:s8], [sflag:$0x1] =	stream.indirect_vreg.gather [hbm4b:s4+s2], $0x80, v4, vm1, $0xb8;
	[tilespmem:$0xC100] =	vst v63  }
0x40: {  	s0 =	rddreg [dreg:$0xc]  }
0x41: {  	[tilespmem:s0], [sflag:$0x1] =	stream.indirect_vreg.gather [hbm4b:s3+s2], $0x80, v3, vm0, $0xb8;
	[tilespmem:$0xC100] =	vst v63  }
0x42: {  	s8 =	rddreg [dreg:$0xd]  }
0x43: {  	[tilespmem:s8], [sflag:$0x1] =	stream.indirect_vreg.gather [hbm4b:s4+s2], $0x80, v3, vm1, $0xb8;
	[tilespmem:$0xC100] =	vst v63  }
0x44: {  	v3 =	vld [tilespmem:$0x20];
	_ =	sdelay $0x4  }
0x45: {  	v58 =	vshrl.u32 v3, $0x3  }
0x46: {  	v4 =	vmul.u32 $0x18, v58  }
0x47: {  	v3 =	vand.u32 $0x7, v3  }
0x48: {  	v3 =	vor.u32 v3, v4  }
0x49: {  	v4 =	vperm.xlane v3, v0;
	_ =	sdelay $0x1  }
0x4a: {  	v4 =	vadd.s32 v1, v4;
	_ =	sdelay $0x1  }
0x4b: {  	v3 =	vperm.xlane v3, v2;
	_ =	sdelay $0x1  }
0x4c: {  	s0 =	rddreg [dreg:$0xe];
	v3 =	vadd.s32 v1, v3  }
0x4d: {  	[tilespmem:s0], [sflag:$0x1] =	stream.indirect_vreg.gather [hbm4b:s3+s2], $0x80, v4, vm0, $0xb8;
	[tilespmem:$0xC100] =	vst v63  }
0x4e: {  	s8 =	rddreg [dreg:$0xf]  }
0x4f: {  	[tilespmem:s8], [sflag:$0x1] =	stream.indirect_vreg.gather [hbm4b:s4+s2], $0x80, v4, vm1, $0xb8;
	[tilespmem:$0xC100] =	vst v63  }
0x50: {  	s0 =	rddreg [dreg:$0x10]  }
0x51: {  	[tilespmem:s0], [sflag:$0x1] =	stream.indirect_vreg.gather [hbm4b:s3+s2], $0x80, v3, vm0, $0xb8;
	[tilespmem:$0xC100] =	vst v63  }
0x52: {  	s8 =	rddreg [dreg:$0x11]  }
0x53: {  	[tilespmem:s8], [sflag:$0x1] =	stream.indirect_vreg.gather [hbm4b:s4+s2], $0x80, v3, vm1, $0xb8;
	[tilespmem:$0xC100] =	vst v63  }
0x54: {  	v3 =	vld [tilespmem:$0x30];
	_ =	sdelay $0x4  }
0x55: {  	v59 =	vshrl.u32 v3, $0x3  }
0x56: {  	v4 =	vmul.u32 $0x18, v59  }
0x57: {  	v3 =	vand.u32 $0x7, v3  }
0x58: {  	v3 =	vor.u32 v3, v4  }
0x59: {  	v4 =	vperm.xlane v3, v0;
	_ =	sdelay $0x1  }
0x5a: {  	v4 =	vadd.s32 v1, v4;
	_ =	sdelay $0x1  }
0x5b: {  	v3 =	vperm.xlane v3, v2;
	_ =	sdelay $0x1  }
0x5c: {  	s8 =	simm.s32 $0x4900;
	v3 =	vadd.s32 v1, v3  }
0x5d: {  	[tilespmem:s8], [sflag:$0x1] =	stream.indirect_vreg.gather [hbm4b:s3+s2], $0x80, v4, vm0, $0xb8;
	[tilespmem:$0xC100] =	vst v63  }
0x5e: {  	_ = 	snop  }
0x5f: {  	[tilespmem:s9], [sflag:$0x1] =	stream.indirect_vreg.gather [hbm4b:s4+s2], $0x80, v4, vm1, $0xb8;
	[tilespmem:$0xC100] =	vst v63  }
0x60: {  	_ = 	snop  }
0x61: {  	[tilespmem:s10], [sflag:$0x1] =	stream.indirect_vreg.gather [hbm4b:s3+s2], $0x80, v3, vm0, $0xb8;
	[tilespmem:$0xC100] =	vst v63  }
0x62: {  	_ = 	snop  }
0x63: {  	[tilespmem:s11], [sflag:$0x1] =	stream.indirect_vreg.gather [hbm4b:s4+s2], $0x80, v3, vm1, $0xb8;
	[tilespmem:$0xC100] =	vst v63  }
0x64: {  	v3 =	vld [tilespmem:$0x80];
	_ =	sdelay $0x4  }
0x65: {  	v60 =	vshrl.u32 v3, $0x3  }
0x66: {  	v4 =	vmul.u32 $0x18, v60  }
0x67: {  	v3 =	vand.u32 $0x7, v3  }
0x68: {  	v3 =	vor.u32 v3, v4  }
0x69: {  	v4 =	vperm.xlane v3, v0;
	_ =	sdelay $0x1  }
0x6a: {  	v4 =	vadd.s32 v1, v4;
	_ =	sdelay $0x1  }
0x6b: {  	v3 =	vperm.xlane v3, v2;
	_ =	sdelay $0x1  }
0x6c: {  	v3 =	vadd.s32 v1, v3  }
0x6d: {  	[tilespmem:s12], [sflag:$0x2] =	stream.indirect_vreg.gather [hbm4b:s3+s2], $0x80, v4, vm0, $0xb8;
	[tilespmem:$0xC100] =	vst v63  }
0x6e: {  	_ = 	snop  }
0x6f: {  	[tilespmem:s13], [sflag:$0x2] =	stream.indirect_vreg.gather [hbm4b:s4+s2], $0x80, v4, vm1, $0xb8;
	[tilespmem:$0xC100] =	vst v63  }
0x70: {  	_ = 	snop  }
0x71: {  	[tilespmem:s14], [sflag:$0x2] =	stream.indirect_vreg.gather [hbm4b:s3+s2], $0x80, v3, vm0, $0xb8;
	[tilespmem:$0xC100] =	vst v63  }
0x72: {  	_ = 	snop  }
0x73: {  	[tilespmem:s15], [sflag:$0x2] =	stream.indirect_vreg.gather [hbm4b:s4+s2], $0x80, v3, vm1, $0xb8;
	[tilespmem:$0xC100] =	vst v63  }
0x74: {  	v3 =	vld [tilespmem:$0x90];
	_ =	sdelay $0x4  }
0x75: {  	v61 =	vshrl.u32 v3, $0x3  }
0x76: {  	v4 =	vmul.u32 $0x18, v61  }
0x77: {  	v3 =	vand.u32 $0x7, v3  }
0x78: {  	v3 =	vor.u32 v3, v4  }
0x79: {  	v4 =	vperm.xlane v3, v0;
	_ =	sdelay $0x1  }
0x7a: {  	v4 =	vadd.s32 v1, v4;
	_ =	sdelay $0x1  }
0x7b: {  	v3 =	vperm.xlane v3, v2;
	_ =	sdelay $0x1  }
0x7c: {  	v3 =	vadd.s32 v1, v3  }
0x7d: {  	[tilespmem:s16], [sflag:$0x2] =	stream.indirect_vreg.gather [hbm4b:s3+s2], $0x80, v4, vm0, $0xb8;
	[tilespmem:$0xC100] =	vst v63  }
0x7e: {  	_ = 	snop  }
0x7f: {  	[tilespmem:s17], [sflag:$0x2] =	stream.indirect_vreg.gather [hbm4b:s4+s2], $0x80, v4, vm1, $0xb8;
	[tilespmem:$0xC100] =	vst v63  }
0x80: {  	_ = 	snop  }
0x81: {  	[tilespmem:s18], [sflag:$0x2] =	stream.indirect_vreg.gather [hbm4b:s3+s2], $0x80, v3, vm0, $0xb8;
	[tilespmem:$0xC100] =	vst v63  }
0x82: {  	_ = 	snop  }
0x83: {  	[tilespmem:s19], [sflag:$0x2] =	stream.indirect_vreg.gather [hbm4b:s4+s2], $0x80, v3, vm1, $0xb8;
	[tilespmem:$0xC100] =	vst v63  }
0x84: {  	v3 =	vld [tilespmem:$0xA0];
	_ =	sdelay $0x4  }
0x85: {  	v62 =	vshrl.u32 v3, $0x3  }
0x86: {  	v4 =	vmul.u32 $0x18, v62  }
0x87: {  	v3 =	vand.u32 $0x7, v3  }
0x88: {  	v3 =	vor.u32 v3, v4  }
0x89: {  	v4 =	vperm.xlane v3, v0;
	_ =	sdelay $0x1  }
0x8a: {  	v4 =	vadd.s32 v1, v4;
	_ =	sdelay $0x1  }
0x8b: {  	v3 =	vperm.xlane v3, v2;
	_ =	sdelay $0x1  }
0x8c: {  	v3 =	vadd.s32 v1, v3  }
0x8d: {  	[tilespmem:s20], [sflag:$0x2] =	stream.indirect_vreg.gather [hbm4b:s3+s2], $0x80, v4, vm0, $0xb8;
	[tilespmem:$0xC100] =	vst v63  }
0x8e: {  	_ = 	snop  }
0x8f: {  	[tilespmem:s21], [sflag:$0x2] =	stream.indirect_vreg.gather [hbm4b:s4+s2], $0x80, v4, vm1, $0xb8;
	[tilespmem:$0xC100] =	vst v63  }
0x90: {  	_ = 	snop  }
0x91: {  	[tilespmem:s22], [sflag:$0x2] =	stream.indirect_vreg.gather [hbm4b:s3+s2], $0x80, v3, vm0, $0xb8;
	[tilespmem:$0xC100] =	vst v63  }
0x92: {  	_ = 	snop  }
0x93: {  	[tilespmem:s23], [sflag:$0x2] =	stream.indirect_vreg.gather [hbm4b:s4+s2], $0x80, v3, vm1, $0xb8;
	[tilespmem:$0xC100] =	vst v63  }
0x94: {  	v3 =	vld [tilespmem:$0xB0];
	_ =	sdelay $0x4  }
0x95: {  	v63 =	vshrl.u32 v3, $0x3  }
0x96: {  	v4 =	vmul.u32 $0x18, v63  }
0x97: {  	v3 =	vand.u32 $0x7, v3  }
0x98: {  	v3 =	vor.u32 v3, v4  }
0x99: {  	v4 =	vperm.xlane v3, v0;
	_ =	sdelay $0x1  }
0x9a: {  	v4 =	vadd.s32 v1, v4;
	_ =	sdelay $0x1  }
0x9b: {  	v3 =	vperm.xlane v3, v2;
	_ =	sdelay $0x1  }
0x9c: {  	v3 =	vadd.s32 v1, v3  }
0x9d: {  	[tilespmem:s24], [sflag:$0x2] =	stream.indirect_vreg.gather [hbm4b:s3+s2], $0x80, v4, vm0, $0xb8;
	[tilespmem:$0xC100] =	vst v63  }
0x9e: {  	_ = 	snop  }
0x9f: {  	[tilespmem:s25], [sflag:$0x2] =	stream.indirect_vreg.gather [hbm4b:s4+s2], $0x80, v4, vm1, $0xb8;
	[tilespmem:$0xC100] =	vst v63  }
0xa0: {  	_ = 	snop  }
0xa1: {  	[tilespmem:s26], [sflag:$0x2] =	stream.indirect_vreg.gather [hbm4b:s3+s2], $0x80, v3, vm0, $0xb8;
	[tilespmem:$0xC100] =	vst v63  }
0xa2: {  	_ = 	snop  }
0xa3: {  	[tilespmem:s28], [sflag:$0x2] =	stream.indirect_vreg.gather [hbm4b:s4+s2], $0x80, v3, vm1, $0xb8;
	[tilespmem:$0xC100] =	vst v63  }
0xa4: {  	_ =	swait.ge [sflag:s29], $0x6000  }
0xa5: {  	[sflag:s29] =	ssyncset.done $0x0  }
0xa6: {  	s8 =	rddreg [dreg:$0x4];
	[sflag:s29] =	ssyncadd.s32 $0xFFFFA000  }
0xa7: {  	[hbm4b:s8+s2] =	stream.linear.scatter [tilespmem:s7], [sflag:$0x3], $0x6000, $0x38;
	[tilespmem:$0xC100] =	vst v63  }
0xa8: {  	_ =	swait.ge [sflag:s30], $0x6000  }
0xa9: {  	[sflag:s30] =	ssyncset.done $0x0  }
0xaa: {  	s8 =	rddreg [dreg:$0x5];
	[sflag:s30] =	ssyncadd.s32 $0xFFFFA000  }
0xab: {  	[hbm4b:s8+s2] =	stream.linear.scatter [tilespmem:s12], [sflag:$0x4], $0x6000, $0x38;
	[tilespmem:$0xC100] =	vst v63  }
0xac: {  	p0 =	sne.s32 s5, $0x1;
	_ =	swait.ge [sflag:s31], $0x6000  }
.Ltmp0:
0xad: {  	[sflag:s31] =	ssyncset.done $0x0;
	(pc) =	sbr.rel @p0 .LBB2_1-.Ltmp0, $4  }
0xae: {  	[sflag:s31] =	ssyncadd.s32 $0xFFFFA000  }
0xaf: {  	_ =	swait.ge [sflag:s1], $0x6000  }
0xb0: {  	[sflag:s1] =	ssyncset.done $0x0  }
0xb1: {  	s5 =	sadd.s32 $0xFFFFFFFF, s5;
	[sflag:s1] =	ssyncadd.s32 $0xFFFFA000  }
0xb2: {  	_ =	sfence.sel $0x180000  }
0xb3: {  	[bflag:$0x0] =	sbarrier.arrive $0xFFFF  }
0xb4: {  	_ =	strace $0x9000004D  }
0xb5: {  	s0 =	stileid.u32;
	[bflag:$0x2] =	sbarrier.arrive $0xFFFF  }
0xb6: {  	p0 =	sne.s32 s0, $0x0;
	s0 =	rddreg [dreg:$0x1]  }
0xb7: {  	s0 =	sadd.s32 @!p0 $0x100000, s0  }
0xb8: {  	[sflag:s0] =	ssyncadd.tile.s32 @!p0 $0x1;
	_ =	shalt  }
.Lfunc_end2:
_tile_overlayer_lowered:
.L_overlay_start_2:
0xb9: {  	(tag) =	ssettag $0x2  }
0xba: {  	s0 =	rddreg [dreg:$0x0];
	s2 =	stileid.u32  }
0xbb: {  	s1 =	rddreg [dreg:$0x1];
	p0 =	sne.s32 s2, $0x0  }
0xbc: {  	s3 =	rddreg [dreg:$0x2];
	[bflag:$0x3] =	sbarrier.arrive $0xFFFF;
	s2 =	simm.s32 @!p0 $0x1C05  }
0xbd: {  	[timem:s3], [sflag:s2] =	dma.local @!p0 [hbm:s0], s1  }
0xbe: {  	s0 =	simm.s32 @!p0 $0x5  }
0xbf: {  	_ =	swait.ge @!p0 [sflag:s0], s1  }
0xc0: {  	s1 =	ssub.s32 @!p0 $0x0, s1;
	[sflag:s0] =	ssyncset.done @!p0 $0x0  }
0xc1: {  	[sflag:s0] =	ssyncadd.s32 @!p0 s1  }
0xc2: {  	[bflag:$0x3] =	sbarrier.arrive $0xFFFF  }
0xc3: {  	_ =	shalt  }

</sc_bundles>
